<compile_context>
chip_gen: v7x
topology: tpu7x:2x2x1
jax: 0.10.2.dev20260603
libtpu: 0.0.44.dev20260713+nightly
codegen_flags: <defaults>
</compile_context>

<pallas_src>
import functools

import jax
import jax.numpy as jnp
from jax import lax
from jax.experimental import pallas as pl
from jax.experimental.pallas import tpu as pltpu
from jax.experimental.pallas import tpu_sc as plsc

B = 128
N = 100000
K = 15
QIDX = 38
W = 4096
NBLK = 25

NW = 32
CPW = 64


CAND = NBLK * 128
BIGF = 1e9


def _topk_body(lg_ref, nz_ref, idx_ref, mn_ref, mx_ref,
               cand_v, cand_i, mns, mxs):
    b = pl.program_id(0)

    @pl.when(b == 0)
    def _init():
        cand_v[...] = jnp.full((B, CAND), -jnp.inf, jnp.float32)
        cand_i[...] = jnp.full((B, CAND), BIGF, jnp.float32)
        mns[0, 0] = jnp.float32(jnp.inf)
        mxs[0, 0] = jnp.float32(-jnp.inf)

    xt = lg_ref[...]
    u = jnp.clip(nz_ref[...], 1e-8, 1.0 - 1e-8)
    z = -jnp.log(-jnp.log(u))
    last = b == NBLK - 1

    @pl.when(jnp.logical_not(last))
    def _mm_full():
        mns[0, 0] = jnp.minimum(mns[0, 0], jnp.min(xt))
        mxs[0, 0] = jnp.maximum(mxs[0, 0], jnp.max(xt))

    @pl.when(last)
    def _mm_masked():
        ii = lax.broadcasted_iota(jnp.int32, (W, B), 0)
        valid = (b * W + ii) < N
        mns[0, 0] = jnp.minimum(
            mns[0, 0], jnp.min(jnp.where(valid, xt, jnp.inf)))
        mxs[0, 0] = jnp.maximum(
            mxs[0, 0], jnp.max(jnp.where(valid, xt, -jnp.inf)))

    iif = lax.broadcasted_iota(jnp.int32, (B, W), 1).astype(jnp.float32)
    lim = jnp.where(last, jnp.float32(N - (NBLK - 1) * W), jnp.float32(W))
    p = jnp.where(iif < lim, (xt + z).T, -jnp.inf)

    bwf = (b * W).astype(jnp.float32)
    selv, seli = [], []
    for s in range(K):
        m = jnp.max(p, axis=1, keepdims=True)
        lid = jnp.min(jnp.where(p == m, iif, BIGF), axis=1, keepdims=True)
        selv.append(m)
        seli.append(lid + bwf)
        p = jnp.where(iif == lid, -jnp.inf, p)
    bv = jnp.concatenate(
        selv + [jnp.full((B, 128 - K), -jnp.inf, jnp.float32)], axis=1)
    bi = jnp.concatenate(
        seli + [jnp.full((B, 128 - K), BIGF, jnp.float32)], axis=1)
    cand_v[:, pl.ds(b * 128, 128)] = bv
    cand_i[:, pl.ds(b * 128, 128)] = bi

    @pl.when(last)
    def _fin():
        v = jnp.concatenate(
            [cand_v[:, j * 128:j * 128 + 16] for j in range(NBLK)]
            + [jnp.full((B, 112), -jnp.inf, jnp.float32)], axis=1)
        iid = jnp.concatenate(
            [cand_i[:, j * 128:j * 128 + 16] for j in range(NBLK)]
            + [jnp.full((B, 112), BIGF, jnp.float32)], axis=1)
        sel2 = []
        for s in range(K):
            m = jnp.max(v, axis=1, keepdims=True)
            sid = jnp.min(jnp.where(v == m, iid, BIGF), axis=1, keepdims=True)
            sel2.append(sid)
            v = jnp.where((v == m) & (iid == sid), -jnp.inf, v)
        ids = jnp.concatenate(
            sel2 + [jnp.zeros((B, 1), jnp.float32)], axis=1)
        idx_ref[...] = ids.astype(jnp.int32)
        mn_ref[0, 0] = mns[0, 0]
        mx_ref[0, 0] = mxs[0, 0]


def _topk_call(lgT, nzT):
    return pl.pallas_call(
        _topk_body,
        grid=(NBLK,),
        in_specs=[
            pl.BlockSpec((W, B), lambda b: (b, 0)),
            pl.BlockSpec((W, B), lambda b: (b, 0)),
        ],
        out_specs=[
            pl.BlockSpec((B, 16), lambda b: (0, 0)),
            pl.BlockSpec(memory_space=pltpu.SMEM),
            pl.BlockSpec(memory_space=pltpu.SMEM),
        ],
        out_shape=[
            jax.ShapeDtypeStruct((B, 16), jnp.int32),
            jax.ShapeDtypeStruct((1, 1), jnp.float32),
            jax.ShapeDtypeStruct((1, 1), jnp.float32),
        ],
        scratch_shapes=[
            pltpu.VMEM((B, CAND), jnp.float32),
            pltpu.VMEM((B, CAND), jnp.float32),
            pltpu.SMEM((1, 1), jnp.float32),
            pltpu.SMEM((1, 1), jnp.float32),
        ],
        compiler_params=pltpu.CompilerParams(
            dimension_semantics=("arbitrary",)),
    )(lgT, nzT)


def _sc_body(tab_hbm, idxp_hbm, out_hbm, cols_v, gdat_v, sem):
    c = lax.axis_index("c")
    s = lax.axis_index("s")
    wid = s * 2 + c

    pltpu.sync_copy(idxp_hbm.at[wid], cols_v)
    cp = pltpu.make_async_copy(tab_hbm.at[cols_v], gdat_v, sem)
    cp.start()
    cp.wait()
    pltpu.sync_copy(gdat_v, out_hbm.at[pl.ds(wid * CPW, CPW)])


def _sc_call(table, idx_pad):
    mesh = plsc.VectorSubcoreMesh(core_axis_name="c", subcore_axis_name="s")
    fn = functools.partial(
        pl.kernel,
        out_type=jax.ShapeDtypeStruct((NW * CPW, B), jnp.float32),
        mesh=mesh,
        scratch_types=[
            pltpu.VMEM((CPW,), jnp.int32),
            pltpu.VMEM((CPW, B), jnp.float32),
            pltpu.SemaphoreType.DMA,
        ],
    )(_sc_body)
    return fn(table, idx_pad)


TPAD = NW * CPW


def _att_body(g_ref, mn_ref, mx_ref, out_ref):
    x = g_ref[...]
    mn = mn_ref[0, 0]
    mx = mx_ref[0, 0]
    a = (x - mn) / mx
    rows = lax.broadcasted_iota(jnp.int32, (TPAD, B), 0)
    cols = lax.broadcasted_iota(jnp.int32, (TPAD, B), 1)
    imap = jnp.minimum(rows // K, B - 1)
    sel = (cols == imap).astype(jnp.float32)
    ai = jnp.sum(a * sel, axis=1, keepdims=True)
    cnt = jnp.sum((a <= ai).astype(jnp.int32), axis=1, keepdims=True)
    out_ref[...] = jnp.where(cnt <= QIDX, 0.0, ai)


def _att_call(g, mn, mx):
    return pl.pallas_call(
        _att_body,
        in_specs=[
            pl.BlockSpec((TPAD, B), lambda: (0, 0)),
            pl.BlockSpec(memory_space=pltpu.SMEM),
            pl.BlockSpec(memory_space=pltpu.SMEM),
        ],
        out_specs=pl.BlockSpec((TPAD, 1), lambda: (0, 0)),
        out_shape=jax.ShapeDtypeStruct((TPAD, 1), jnp.float32),
    )(g, mn, mx)


def kernel(logits, noise, k):
    del k
    lgT = logits.T
    nzT = noise.T
    idx16, mn, mx = _topk_call(lgT, nzT)
    idxk = idx16[:, :K]

    flat_idx = idxk.reshape(-1)
    idx_pad = jnp.pad(flat_idx, (0, TPAD - B * K)).reshape(NW, CPW)
    g = _sc_call(lgT, idx_pad)
    att2 = _att_call(g, mn, mx)
    att = att2.reshape(-1)[:B * K].reshape(B, K)
    return att, idxk

# --- scband reference (transcript-rebuilt; emitter-appended) ---
"""Pipeline reference for scband-zoom-in-net-75660143886508 (READ-ONLY COPY).

The authoritative reference and input builder live on the scoring server;
editing this copy changes nothing except your own understanding.
"""

import jax, jax.numpy as jnp
import numpy as np


def attention_inference_weights(attention):
    # Faithful to: attention = (attention - attention.min()) / attention.max()
    # RHS max is taken on the ORIGINAL tensor (torch evaluates before reassignment)
    a = (attention - attention.min()) / attention.max()
    # torch.quantile(a, 0.3, dim=0, keepdim=True, interpolation='lower')
    n = a.shape[0]
    idx = int(np.floor(0.3 * (n - 1)))
    s = jnp.sort(a, axis=0)
    thr = s[idx][None, :]
    return jnp.where(a < thr, 0.0, a)


def setup_inputs(seed: int = 0) -> dict:
    key = jax.random.key(seed)
    k1, k2 = jax.random.split(key)
    logits = jax.random.normal(k1, (128, 100000), dtype=jnp.float32)
    noise = jax.random.uniform(k2, (128, 100000), dtype=jnp.float32)
    return {"logits": logits, "noise": noise, "k": 15}


def reference(logits, noise, k):
    # Core sampling path of ZoomInNet:
    # - attention_inference_weights normalizes and hard-thresholds scores at the
    #   0.3 lower-quantile along dim 0
    # - _sample_without_replacement (training branch): Gumbel perturbation
    #   z = -log(-log(U)), then top-k on (logits + z) -> sampled locations
    # - sampled_attention = attention values gathered at sampled locations
    att = attention_inference_weights(logits)
    u = jnp.clip(noise, 1e-8, 1.0 - 1e-8)
    z = -jnp.log(-jnp.log(u))
    perturbed = logits + z
    perturbed = perturbed + jnp.zeros((), perturbed.dtype) * jnp.asarray(k, perturbed.dtype)
    _, idx = jax.lax.top_k(perturbed, 15)
    sampled_attention = jnp.take_along_axis(att, idx, axis=1)
    return sampled_attention, idx

if __name__ == "__main__":
    import jax
    _d = setup_inputs()
    print(jax.jit(kernel)(*tuple(_d.values())))

</pallas_src>

<mosaic_0001>
#map = affine_map<(d0, d1) -> (0, 0)>
module attributes {stable_mosaic.version = 14 : i64} {
  func.func @_sc_body(%arg0: i32, %arg1: i32, %arg2: memref<100000x128xf32, #tpu.memory_space<hbm>>, %arg3: memref<32x64xi32, #tpu.memory_space<hbm>>, %arg4: memref<2048x128xf32, #tpu.memory_space<hbm>>, %arg5: memref<64xi32, #tpu.memory_space<vmem>>, %arg6: memref<64x128xf32, #tpu.memory_space<vmem>>, %arg7: memref<!tpu.dma_semaphore, #tpu.memory_space<semaphore_mem>>) attributes {dimension_semantics = [#tpu.dimension_semantics<core_parallel>, #tpu.dimension_semantics<subcore_parallel>], iteration_bounds = array<i64: 2, 16>, scalar_prefetch = 0 : i64, scratch_operands = 3 : i64, tpu.core_type = #tpu.core_type<sc_vector_subcore>, window_params = [{transform_indices = #map}, {transform_indices = #map}, {transform_indices = #map}]} {
    %mul3A = arith.constant 2 : i32
    %mul3A_0 = arith.muli %arg1, %mul3A : i32
    %add3A = arith.addi %mul3A_0, %arg0 : i32
    "tpu.region"() ({
      %run_scoped3A = tpu.sem_alloc : memref<!tpu.dma_semaphore, #tpu.memory_space<semaphore_mem>>
      %dma_start3A_7 = arith.constant 0 : i32
      %dma_start3A_8 = tpu.memref_slice %arg3[%add3A, %dma_start3A_7] : memref<32x64xi32, #tpu.memory_space<hbm>> -> memref<1x64xi32, #tpu.memory_space<hbm>>
      %dma_start3A_9 = tpu.memref_squeeze %dma_start3A_8 : memref<1x64xi32, #tpu.memory_space<hbm>> -> memref<64xi32, #tpu.memory_space<hbm>>
      %dma_start3A_10 = arith.constant 0 : i32
      %dma_start3A_11 = tpu.memref_slice %arg3[%add3A, %dma_start3A_10] : memref<32x64xi32, #tpu.memory_space<hbm>> -> memref<1x64xi32, #tpu.memory_space<hbm>>
      %dma_start3A_12 = tpu.memref_squeeze %dma_start3A_11 : memref<1x64xi32, #tpu.memory_space<hbm>> -> memref<64xi32, #tpu.memory_space<hbm>>
      tpu.enqueue_dma source(%dma_start3A_12 : memref<64xi32, #tpu.memory_space<hbm>>) target(%arg5 : memref<64xi32, #tpu.memory_space<vmem>>) target_semaphore(%run_scoped3A : memref<!tpu.dma_semaphore, #tpu.memory_space<semaphore_mem>>)
      %dma_wait3A_13 = arith.constant 0 : i32
      %dma_wait3A_14 = tpu.memref_slice %arg3[%add3A, %dma_wait3A_13] : memref<32x64xi32, #tpu.memory_space<hbm>> -> memref<1x64xi32, #tpu.memory_space<hbm>>
      %dma_wait3A_15 = tpu.memref_squeeze %dma_wait3A_14 : memref<1x64xi32, #tpu.memory_space<hbm>> -> memref<64xi32, #tpu.memory_space<hbm>>
      %dma_wait3A_16 = arith.constant 0 : i32
      %dma_wait3A_17 = tpu.memref_slice %arg3[%add3A, %dma_wait3A_16] : memref<32x64xi32, #tpu.memory_space<hbm>> -> memref<1x64xi32, #tpu.memory_space<hbm>>
      %dma_wait3A_18 = tpu.memref_squeeze %dma_wait3A_17 : memref<1x64xi32, #tpu.memory_space<hbm>> -> memref<64xi32, #tpu.memory_space<hbm>>
      tpu.wait_dma2 semaphore(%run_scoped3A : memref<!tpu.dma_semaphore, #tpu.memory_space<semaphore_mem>>) src(%dma_wait3A_18 : memref<64xi32, #tpu.memory_space<hbm>>) dst(%arg5 : memref<64xi32, #tpu.memory_space<vmem>>)
      tpu.yield
    }) : () -> ()
    %dma_start3A = arith.constant 0 : i32
    %dma_start3A_1 = arith.constant 0 : i32
    %dma_start3A_2 = tpu.memref_slice %arg2[%dma_start3A, %dma_start3A_1] : memref<100000x128xf32, #tpu.memory_space<hbm>> -> memref<100000x128xf32, #tpu.memory_space<hbm>>
    tpu.enqueue_indirect_dma source(%dma_start3A_2 : memref<100000x128xf32, #tpu.memory_space<hbm>>) target(%arg6 : memref<64x128xf32, #tpu.memory_space<vmem>>) offsets(%arg5 : memref<64xi32, #tpu.memory_space<vmem>>) semaphore(%arg7 : memref<!tpu.dma_semaphore, #tpu.memory_space<semaphore_mem>>)
    %dma_wait3A = arith.constant 0 : i32
    %dma_wait3A_3 = arith.constant 0 : i32
    %dma_wait3A_4 = tpu.memref_slice %arg2[%dma_wait3A, %dma_wait3A_3] : memref<100000x128xf32, #tpu.memory_space<hbm>> -> memref<100000x128xf32, #tpu.memory_space<hbm>>
    tpu.wait_indirect_dma semaphore(%arg7 : memref<!tpu.dma_semaphore, #tpu.memory_space<semaphore_mem>>) src(%dma_wait3A_4 : memref<100000x128xf32, #tpu.memory_space<hbm>>) dst(%arg6 : memref<64x128xf32, #tpu.memory_space<vmem>>)
    %mul3A_5 = arith.constant 64 : i32
    %mul3A_6 = arith.muli %add3A, %mul3A_5 : i32
    "tpu.region"() ({
      %run_scoped3A = tpu.sem_alloc : memref<!tpu.dma_semaphore, #tpu.memory_space<semaphore_mem>>
      %dma_start3A_7 = arith.constant 0 : i32
      %dma_start3A_8 = tpu.memref_slice %arg4[%mul3A_6, %dma_start3A_7] : memref<2048x128xf32, #tpu.memory_space<hbm>> -> memref<64x128xf32, #tpu.memory_space<hbm>>
      %dma_start3A_9 = arith.constant 0 : i32
      %dma_start3A_10 = tpu.memref_slice %arg4[%mul3A_6, %dma_start3A_9] : memref<2048x128xf32, #tpu.memory_space<hbm>> -> memref<64x128xf32, #tpu.memory_space<hbm>>
      tpu.enqueue_dma source(%arg6 : memref<64x128xf32, #tpu.memory_space<vmem>>) target(%dma_start3A_10 : memref<64x128xf32, #tpu.memory_space<hbm>>) target_semaphore(%run_scoped3A : memref<!tpu.dma_semaphore, #tpu.memory_space<semaphore_mem>>)
      %dma_wait3A_11 = arith.constant 0 : i32
      %dma_wait3A_12 = tpu.memref_slice %arg4[%mul3A_6, %dma_wait3A_11] : memref<2048x128xf32, #tpu.memory_space<hbm>> -> memref<64x128xf32, #tpu.memory_space<hbm>>
      %dma_wait3A_13 = arith.constant 0 : i32
      %dma_wait3A_14 = tpu.memref_slice %arg4[%mul3A_6, %dma_wait3A_13] : memref<2048x128xf32, #tpu.memory_space<hbm>> -> memref<64x128xf32, #tpu.memory_space<hbm>>
      tpu.wait_dma2 semaphore(%run_scoped3A : memref<!tpu.dma_semaphore, #tpu.memory_space<semaphore_mem>>) src(%arg6 : memref<64x128xf32, #tpu.memory_space<vmem>>) dst(%dma_wait3A_14 : memref<64x128xf32, #tpu.memory_space<hbm>>)
      tpu.yield
    }) : () -> ()
    return
  }
}

module attributes {stable_mosaic.version = 14 : i64} {
  func.func @_att_body(%arg0: memref<2048x128xf32, #tpu.memory_space<vmem>>, %arg1: memref<1x1xf32, #tpu.memory_space<smem>>, %arg2: memref<1x1xf32, #tpu.memory_space<smem>>, %arg3: memref<2048x1xf32, #tpu.memory_space<vmem>>) attributes {dimension_semantics = [], scalar_prefetch = 0 : i64, scratch_operands = 0 : i64, tpu.core_type = #tpu.core_type<tc>} {
    %get3A = arith.constant 0 : index
    %get3A_0 = arith.constant 0 : index
    %get3A_1 = vector.load %arg0[%get3A, %get3A_0] : memref<2048x128xf32, #tpu.memory_space<vmem>>, vector<2048x128xf32>
    %get3A_2 = arith.constant 0 : index
    %get3A_3 = arith.constant 0 : index
    %get3A_4 = memref.load %arg1[%get3A_2, %get3A_3] : memref<1x1xf32, #tpu.memory_space<smem>>
    %get3A_5 = arith.constant 0 : index
    %get3A_6 = arith.constant 0 : index
    %get3A_7 = memref.load %arg2[%get3A_5, %get3A_6] : memref<1x1xf32, #tpu.memory_space<smem>>
    %sub3A = vector.broadcast %get3A_4 : f32 to vector<2048x128xf32>
    %sub3A_8 = arith.subf %get3A_1, %sub3A : vector<2048x128xf32>
    %div3A = vector.broadcast %get3A_7 : f32 to vector<2048x128xf32>
    %div3A_9 = arith.divf %sub3A_8, %div3A : vector<2048x128xf32>
    %iota3A = tpu.iota {dimensions = array<i32: 0>} : vector<2048x128xi32>
    %iota3A_10 = tpu.iota {dimensions = array<i32: 1>} : vector<2048x128xi32>
    %jit3A = arith.constant 15 : i32
    %div3A_11 = vector.broadcast %jit3A : i32 to vector<2048x128xi32>
    %div3A_12 = arith.divsi %iota3A, %div3A_11 : vector<2048x128xi32>
    %sign3A = arith.constant 0 : i32
    %sign3A_13 = vector.broadcast %sign3A : i32 to vector<2048x128xi32>
    %sign3A_14 = arith.cmpi sgt, %iota3A, %sign3A_13 : vector<2048x128xi32>
    %sign3A_15 = arith.extui %sign3A_14 : vector<2048x128xi1> to vector<2048x128xi32>
    %sign3A_16 = arith.constant 0 : i32
    %sign3A_17 = vector.broadcast %sign3A_16 : i32 to vector<2048x128xi32>
    %sign3A_18 = arith.cmpi slt, %iota3A, %sign3A_17 : vector<2048x128xi32>
    %sign3A_19 = arith.extui %sign3A_18 : vector<2048x128xi1> to vector<2048x128xi32>
    %sign3A_20 = arith.subi %sign3A_15, %sign3A_19 : vector<2048x128xi32>
    %sign3A_21 = arith.constant 0 : i32
    %sign3A_22 = arith.cmpi sgt, %jit3A, %sign3A_21 : i32
    %sign3A_23 = arith.extui %sign3A_22 : i1 to i32
    %sign3A_24 = arith.constant 0 : i32
    %sign3A_25 = arith.cmpi slt, %jit3A, %sign3A_24 : i32
    %sign3A_26 = arith.extui %sign3A_25 : i1 to i32
    %sign3A_27 = arith.subi %sign3A_23, %sign3A_26 : i32
    %ne3A = vector.broadcast %sign3A_27 : i32 to vector<2048x128xi32>
    %ne3A_28 = arith.cmpi ne, %sign3A_20, %ne3A : vector<2048x128xi32>
    %rem3A = vector.broadcast %jit3A : i32 to vector<2048x128xi32>
    %rem3A_29 = arith.remsi %iota3A, %rem3A : vector<2048x128xi32>
    %ne3A_30 = arith.constant 0 : i32
    %ne3A_31 = vector.broadcast %ne3A_30 : i32 to vector<2048x128xi32>
    %ne3A_32 = arith.cmpi ne, %rem3A_29, %ne3A_31 : vector<2048x128xi32>
    %and3A = arith.andi %ne3A_28, %ne3A_32 : vector<2048x128xi1>
    %sub3A_33 = arith.constant 1 : i32
    %sub3A_34 = vector.broadcast %sub3A_33 : i32 to vector<2048x128xi32>
    %sub3A_35 = arith.subi %div3A_12, %sub3A_34 : vector<2048x128xi32>
    %select_n3A = arith.select %and3A, %sub3A_35, %div3A_12 : vector<2048x128xi1>, vector<2048x128xi32>
    %min3A = arith.constant 127 : i32
    %min3A_36 = vector.broadcast %min3A : i32 to vector<2048x128xi32>
    %min3A_37 = arith.minsi %select_n3A, %min3A_36 : vector<2048x128xi32>
    %eq3A = arith.cmpi eq, %iota3A_10, %min3A_37 : vector<2048x128xi32>
    %convert_element_type3A = arith.extui %eq3A : vector<2048x128xi1> to vector<2048x128xi32>
    %convert_element_type3A_38 = arith.sitofp %convert_element_type3A : vector<2048x128xi32> to vector<2048x128xf32>
    %mul3A = arith.mulf %div3A_9, %convert_element_type3A_38 : vector<2048x128xf32>
    %reduce_sum3A = arith.constant dense<0.000000e+00> : vector<2048xf32>
    %reduce_sum3A_39 = vector.multi_reduction <add>, %mul3A, %reduce_sum3A [1] : vector<2048x128xf32> to vector<2048xf32>
    %broadcast_in_dim3A = vector.shape_cast %reduce_sum3A_39 : vector<2048xf32> to vector<2048x1xf32>
    %le3A = vector.broadcast %broadcast_in_dim3A : vector<2048x1xf32> to vector<2048x128xf32>
    %le3A_40 = arith.cmpf ole, %div3A_9, %le3A : vector<2048x128xf32>
    %convert_element_type3A_41 = arith.extui %le3A_40 : vector<2048x128xi1> to vector<2048x128xi32>
    %reduce_sum3A_42 = arith.constant dense<0> : vector<2048xi32>
    %reduce_sum3A_43 = vector.multi_reduction <add>, %convert_element_type3A_41, %reduce_sum3A_42 [1] : vector<2048x128xi32> to vector<2048xi32>
    %broadcast_in_dim3A_44 = vector.shape_cast %reduce_sum3A_43 : vector<2048xi32> to vector<2048x1xi32>
    %le3A_45 = arith.constant 38 : i32
    %le3A_46 = vector.broadcast %le3A_45 : i32 to vector<2048x1xi32>
    %le3A_47 = arith.cmpi sle, %broadcast_in_dim3A_44, %le3A_46 : vector<2048x1xi32>
    %jit3A_48 = arith.constant 0.000000e+00 : f32
    %broadcast_in_dim3A_49 = vector.broadcast %jit3A_48 : f32 to vector<2048x1xf32>
    %select_n3A_50 = arith.select %le3A_47, %broadcast_in_dim3A_49, %broadcast_in_dim3A : vector<2048x1xi1>, vector<2048x1xf32>
    %swap3A = arith.constant 0 : index
    %swap3A_51 = arith.constant 0 : index
    %swap3A_52 = vector.load %arg3[%swap3A, %swap3A_51] : memref<2048x1xf32, #tpu.memory_space<vmem>>, vector<2048x1xf32>
    tpu.vector_store %arg3[%swap3A, %swap3A_51], %select_n3A_50 {strides = array<i32>} : memref<2048x1xf32, #tpu.memory_space<vmem>>, vector<2048x1xf32>,
    return
  }
}

module attributes {stable_mosaic.version = 14 : i64} {
  func.func @_topk_body(%arg0: i32, %arg1: memref<4096x128xf32, #tpu.memory_space<vmem>>, %arg2: memref<4096x128xf32, #tpu.memory_space<vmem>>, %arg3: memref<128x16xi32, #tpu.memory_space<vmem>>, %arg4: memref<1x1xf32, #tpu.memory_space<smem>>, %arg5: memref<1x1xf32, #tpu.memory_space<smem>>, %arg6: memref<128x3200xf32, #tpu.memory_space<vmem>>, %arg7: memref<128x3200xf32, #tpu.memory_space<vmem>>, %arg8: memref<1x1xf32, #tpu.memory_space<smem>>, %arg9: memref<1x1xf32, #tpu.memory_space<smem>>) attributes {dimension_semantics = [#tpu.dimension_semantics<arbitrary>], iteration_bounds = array<i64: 25>, scalar_prefetch = 0 : i64, scratch_operands = 4 : i64, tpu.core_type = #tpu.core_type<tc>, window_params = [{transform_indices = @transform_0, window_bounds = array<i64: 4096, 128>}, {transform_indices = @transform_1, window_bounds = array<i64: 4096, 128>}, {pipeline_mode = #tpu.pipeline_mode<synchronous>, transform_indices = @transform_2, window_bounds = array<i64: 128, 16>}, {transform_indices = @transform_3, window_bounds = array<i64: 1, 1>}, {transform_indices = @transform_4, window_bounds = array<i64: 1, 1>}]} {
    %eq3A = arith.constant 0 : i32
    %eq3A_0 = arith.cmpi eq, %arg0, %eq3A : i32
    %convert_element_type3A = arith.extui %eq3A_0 : i1 to i32
    %cond3A = arith.constant 0 : i32
    %cond3A_1 = arith.cmpi ne, %convert_element_type3A, %cond3A : i32
    scf.if %cond3A_1 {
      %broadcast_in_dim3A_313 = arith.constant 0xFF800000 : f32
      %broadcast_in_dim3A_314 = vector.broadcast %broadcast_in_dim3A_313 : f32 to vector<128x3200xf32>
      %swap3A_315 = arith.constant 0 : index
      %swap3A_316 = arith.constant 0 : index
      %swap3A_317 = vector.load %arg6[%swap3A_315, %swap3A_316] : memref<128x3200xf32, #tpu.memory_space<vmem>>, vector<128x3200xf32>
      tpu.vector_store %arg6[%swap3A_315, %swap3A_316], %broadcast_in_dim3A_314 {strides = array<i32>} : memref<128x3200xf32, #tpu.memory_space<vmem>>, vector<128x3200xf32>,
      %broadcast_in_dim3A_318 = arith.constant 1.000000e+09 : f32
      %broadcast_in_dim3A_319 = vector.broadcast %broadcast_in_dim3A_318 : f32 to vector<128x3200xf32>
      %swap3A_320 = arith.constant 0 : index
      %swap3A_321 = arith.constant 0 : index
      %swap3A_322 = vector.load %arg7[%swap3A_320, %swap3A_321] : memref<128x3200xf32, #tpu.memory_space<vmem>>, vector<128x3200xf32>
      tpu.vector_store %arg7[%swap3A_320, %swap3A_321], %broadcast_in_dim3A_319 {strides = array<i32>} : memref<128x3200xf32, #tpu.memory_space<vmem>>, vector<128x3200xf32>,
      %swap3A_323 = arith.constant 0x7F800000 : f32
      %swap3A_324 = arith.constant 0 : index
      %swap3A_325 = arith.constant 0 : index
      %swap3A_326 = memref.load %arg8[%swap3A_324, %swap3A_325] : memref<1x1xf32, #tpu.memory_space<smem>>
      memref.store %swap3A_323, %arg8[%swap3A_324, %swap3A_325] : memref<1x1xf32, #tpu.memory_space<smem>>
      %swap3A_327 = arith.constant 0xFF800000 : f32
      %swap3A_328 = arith.constant 0 : index
      %swap3A_329 = arith.constant 0 : index
      %swap3A_330 = memref.load %arg9[%swap3A_328, %swap3A_329] : memref<1x1xf32, #tpu.memory_space<smem>>
      memref.store %swap3A_327, %arg9[%swap3A_328, %swap3A_329] : memref<1x1xf32, #tpu.memory_space<smem>>
    } else {
    }
    %get3A = arith.constant 0 : index
    %get3A_2 = arith.constant 0 : index
    %get3A_3 = vector.load %arg1[%get3A, %get3A_2] : memref<4096x128xf32, #tpu.memory_space<vmem>>, vector<4096x128xf32>
    %get3A_4 = arith.constant 0 : index
    %get3A_5 = arith.constant 0 : index
    %get3A_6 = vector.load %arg2[%get3A_4, %get3A_5] : memref<4096x128xf32, #tpu.memory_space<vmem>>, vector<4096x128xf32>
    %jit3A = arith.constant 9.99999993E-9 : f32
    %jit3A_7 = arith.constant 1.000000e+00 : f32
    %max3A = vector.broadcast %jit3A : f32 to vector<4096x128xf32>
    %max3A_8 = arith.maximumf %max3A, %get3A_6 : vector<4096x128xf32>
    %min3A = vector.broadcast %jit3A_7 : f32 to vector<4096x128xf32>
    %min3A_9 = arith.minimumf %min3A, %max3A_8 : vector<4096x128xf32>
    %log3A = math.log %min3A_9 : vector<4096x128xf32>
    %neg3A = arith.constant 0.000000e+00 : f32
    %neg3A_10 = vector.broadcast %neg3A : f32 to vector<4096x128xf32>
    %neg3A_11 = arith.subf %neg3A_10, %log3A : vector<4096x128xf32>
    %log3A_12 = math.log %neg3A_11 : vector<4096x128xf32>
    %neg3A_13 = arith.constant 0.000000e+00 : f32
    %neg3A_14 = vector.broadcast %neg3A_13 : f32 to vector<4096x128xf32>
    %neg3A_15 = arith.subf %neg3A_14, %log3A_12 : vector<4096x128xf32>
    %eq3A_16 = arith.constant 24 : i32
    %eq3A_17 = arith.cmpi eq, %arg0, %eq3A_16 : i32
    %not3A = arith.constant true
    %not3A_18 = arith.xori %eq3A_17, %not3A : i1
    %convert_element_type3A_19 = arith.extui %not3A_18 : i1 to i32
    %cond3A_20 = arith.constant 0 : i32
    %cond3A_21 = arith.cmpi ne, %convert_element_type3A_19, %cond3A_20 : i32
    scf.if %cond3A_21 {
      %get3A_313 = arith.constant 0 : index
      %get3A_314 = arith.constant 0 : index
      %get3A_315 = memref.load %arg8[%get3A_313, %get3A_314] : memref<1x1xf32, #tpu.memory_space<smem>>
      %reduce_min3A_316 = vector.shape_cast %get3A_3 : vector<4096x128xf32> to vector<1x4096x128xf32>
      %reduce_min3A_317 = arith.constant dense<0x7F800000> : vector<1xf32>
      %reduce_min3A_318 = vector.multi_reduction <minimumf>, %reduce_min3A_316, %reduce_min3A_317 [1, 2] : vector<1x4096x128xf32> to vector<1xf32>
      %reduce_min3A_319 = vector.shape_cast %reduce_min3A_318 : vector<1xf32> to vector<1x1x1xf32>
      %reduce_min3A_320 = vector.extract %reduce_min3A_319[0, 0, 0] : f32 from vector<1x1x1xf32>
      %min3A_321 = arith.minimumf %get3A_315, %reduce_min3A_320 : f32
      %swap3A_322 = arith.constant 0 : index
      %swap3A_323 = arith.constant 0 : index
      %swap3A_324 = memref.load %arg8[%swap3A_322, %swap3A_323] : memref<1x1xf32, #tpu.memory_space<smem>>
      memref.store %min3A_321, %arg8[%swap3A_322, %swap3A_323] : memref<1x1xf32, #tpu.memory_space<smem>>
      %get3A_325 = arith.constant 0 : index
      %get3A_326 = arith.constant 0 : index
      %get3A_327 = memref.load %arg9[%get3A_325, %get3A_326] : memref<1x1xf32, #tpu.memory_space<smem>>
      %reduce_max3A_328 = vector.shape_cast %get3A_3 : vector<4096x128xf32> to vector<1x4096x128xf32>
      %reduce_max3A_329 = arith.constant dense<0xFF800000> : vector<1xf32>
      %reduce_max3A_330 = vector.multi_reduction <maximumf>, %reduce_max3A_328, %reduce_max3A_329 [1, 2] : vector<1x4096x128xf32> to vector<1xf32>
      %reduce_max3A_331 = vector.shape_cast %reduce_max3A_330 : vector<1xf32> to vector<1x1x1xf32>
      %reduce_max3A_332 = vector.extract %reduce_max3A_331[0, 0, 0] : f32 from vector<1x1x1xf32>
      %max3A_333 = arith.maximumf %get3A_327, %reduce_max3A_332 : f32
      %swap3A_334 = arith.constant 0 : index
      %swap3A_335 = arith.constant 0 : index
      %swap3A_336 = memref.load %arg9[%swap3A_334, %swap3A_335] : memref<1x1xf32, #tpu.memory_space<smem>>
      memref.store %max3A_333, %arg9[%swap3A_334, %swap3A_335] : memref<1x1xf32, #tpu.memory_space<smem>>
    } else {
    }
    %convert_element_type3A_22 = arith.extui %eq3A_17 : i1 to i32
    %cond3A_23 = arith.constant 0 : i32
    %cond3A_24 = arith.cmpi ne, %convert_element_type3A_22, %cond3A_23 : i32
    scf.if %cond3A_24 {
      %iota3A_313 = tpu.iota {dimensions = array<i32: 0>} : vector<4096x128xi32>
      %mul3A_314 = arith.constant 4096 : i32
      %mul3A_315 = arith.muli %arg0, %mul3A_314 : i32
      %add3A_316 = vector.broadcast %mul3A_315 : i32 to vector<4096x128xi32>
      %add3A_317 = arith.addi %add3A_316, %iota3A_313 : vector<4096x128xi32>
      %lt3A_318 = arith.constant 100000 : i32
      %lt3A_319 = vector.broadcast %lt3A_318 : i32 to vector<4096x128xi32>
      %lt3A_320 = arith.cmpi slt, %add3A_317, %lt3A_319 : vector<4096x128xi32>
      %get3A_321 = arith.constant 0 : index
      %get3A_322 = arith.constant 0 : index
      %get3A_323 = memref.load %arg8[%get3A_321, %get3A_322] : memref<1x1xf32, #tpu.memory_space<smem>>
      %jit3A_324 = arith.constant 0x7F800000 : f32
      %broadcast_in_dim3A_325 = vector.broadcast %jit3A_324 : f32 to vector<4096x128xf32>
      %select_n3A_326 = arith.select %lt3A_320, %get3A_3, %broadcast_in_dim3A_325 : vector<4096x128xi1>, vector<4096x128xf32>
      %reduce_min3A_327 = vector.shape_cast %select_n3A_326 : vector<4096x128xf32> to vector<1x4096x128xf32>
      %reduce_min3A_328 = arith.constant dense<0x7F800000> : vector<1xf32>
      %reduce_min3A_329 = vector.multi_reduction <minimumf>, %reduce_min3A_327, %reduce_min3A_328 [1, 2] : vector<1x4096x128xf32> to vector<1xf32>
      %reduce_min3A_330 = vector.shape_cast %reduce_min3A_329 : vector<1xf32> to vector<1x1x1xf32>
      %reduce_min3A_331 = vector.extract %reduce_min3A_330[0, 0, 0] : f32 from vector<1x1x1xf32>
      %min3A_332 = arith.minimumf %get3A_323, %reduce_min3A_331 : f32
      %swap3A_333 = arith.constant 0 : index
      %swap3A_334 = arith.constant 0 : index
      %swap3A_335 = memref.load %arg8[%swap3A_333, %swap3A_334] : memref<1x1xf32, #tpu.memory_space<smem>>
      memref.store %min3A_332, %arg8[%swap3A_333, %swap3A_334] : memref<1x1xf32, #tpu.memory_space<smem>>
      %get3A_336 = arith.constant 0 : index
      %get3A_337 = arith.constant 0 : index
      %get3A_338 = memref.load %arg9[%get3A_336, %get3A_337] : memref<1x1xf32, #tpu.memory_space<smem>>
      %jit3A_339 = arith.constant 0xFF800000 : f32
      %broadcast_in_dim3A_340 = vector.broadcast %jit3A_339 : f32 to vector<4096x128xf32>
      %select_n3A_341 = arith.select %lt3A_320, %get3A_3, %broadcast_in_dim3A_340 : vector<4096x128xi1>, vector<4096x128xf32>
      %reduce_max3A_342 = vector.shape_cast %select_n3A_341 : vector<4096x128xf32> to vector<1x4096x128xf32>
      %reduce_max3A_343 = arith.constant dense<0xFF800000> : vector<1xf32>
      %reduce_max3A_344 = vector.multi_reduction <maximumf>, %reduce_max3A_342, %reduce_max3A_343 [1, 2] : vector<1x4096x128xf32> to vector<1xf32>
      %reduce_max3A_345 = vector.shape_cast %reduce_max3A_344 : vector<1xf32> to vector<1x1x1xf32>
      %reduce_max3A_346 = vector.extract %reduce_max3A_345[0, 0, 0] : f32 from vector<1x1x1xf32>
      %max3A_347 = arith.maximumf %get3A_338, %reduce_max3A_346 : f32
      %swap3A_348 = arith.constant 0 : index
      %swap3A_349 = arith.constant 0 : index
      %swap3A_350 = memref.load %arg9[%swap3A_348, %swap3A_349] : memref<1x1xf32, #tpu.memory_space<smem>>
      memref.store %max3A_347, %arg9[%swap3A_348, %swap3A_349] : memref<1x1xf32, #tpu.memory_space<smem>>
    } else {
    }
    %iota3A = tpu.iota {dimensions = array<i32: 1>} : vector<128x4096xi32>
    %convert_element_type3A_25 = arith.sitofp %iota3A : vector<128x4096xi32> to vector<128x4096xf32>
    %jit3A_26 = arith.constant 1.696000e+03 : f32
    %jit3A_27 = arith.constant 4.096000e+03 : f32
    %select_n3A = arith.select %eq3A_17, %jit3A_26, %jit3A_27 : f32
    %lt3A = vector.broadcast %select_n3A : f32 to vector<128x4096xf32>
    %lt3A_28 = arith.cmpf olt, %convert_element_type3A_25, %lt3A : vector<128x4096xf32>
    %add3A = arith.addf %get3A_3, %neg3A_15 : vector<4096x128xf32>
    %transpose3A = tpu.transpose %add3A, [1, 0] : vector<4096x128xf32> -> vector<128x4096xf32>
    %jit3A_29 = arith.constant 0xFF800000 : f32
    %broadcast_in_dim3A = vector.broadcast %jit3A_29 : f32 to vector<128x4096xf32>
    %select_n3A_30 = arith.select %lt3A_28, %transpose3A, %broadcast_in_dim3A : vector<128x4096xi1>, vector<128x4096xf32>
    %mul3A = arith.constant 4096 : i32
    %mul3A_31 = arith.muli %arg0, %mul3A : i32
    %convert_element_type3A_32 = arith.sitofp %mul3A_31 : i32 to f32
    %reduce_max3A = arith.constant dense<0xFF800000> : vector<128xf32>
    %reduce_max3A_33 = vector.multi_reduction <maximumf>, %select_n3A_30, %reduce_max3A [1] : vector<128x4096xf32> to vector<128xf32>
    %broadcast_in_dim3A_34 = vector.shape_cast %reduce_max3A_33 : vector<128xf32> to vector<128x1xf32>
    %eq3A_35 = vector.broadcast %broadcast_in_dim3A_34 : vector<128x1xf32> to vector<128x4096xf32>
    %eq3A_36 = arith.cmpf oeq, %select_n3A_30, %eq3A_35 : vector<128x4096xf32>
    %jit3A_37 = arith.constant 1.000000e+09 : f32
    %broadcast_in_dim3A_38 = vector.broadcast %jit3A_37 : f32 to vector<128x4096xf32>
    %select_n3A_39 = arith.select %eq3A_36, %convert_element_type3A_25, %broadcast_in_dim3A_38 : vector<128x4096xi1>, vector<128x4096xf32>
    %reduce_min3A = arith.constant dense<0x7F800000> : vector<128xf32>
    %reduce_min3A_40 = vector.multi_reduction <minimumf>, %select_n3A_39, %reduce_min3A [1] : vector<128x4096xf32> to vector<128xf32>
    %broadcast_in_dim3A_41 = vector.shape_cast %reduce_min3A_40 : vector<128xf32> to vector<128x1xf32>
    %add3A_42 = vector.broadcast %convert_element_type3A_32 : f32 to vector<128x1xf32>
    %add3A_43 = arith.addf %broadcast_in_dim3A_41, %add3A_42 : vector<128x1xf32>
    %eq3A_44 = vector.broadcast %broadcast_in_dim3A_41 : vector<128x1xf32> to vector<128x4096xf32>
    %eq3A_45 = arith.cmpf oeq, %convert_element_type3A_25, %eq3A_44 : vector<128x4096xf32>
    %jit3A_46 = arith.constant 0xFF800000 : f32
    %broadcast_in_dim3A_47 = vector.broadcast %jit3A_46 : f32 to vector<128x4096xf32>
    %select_n3A_48 = arith.select %eq3A_45, %broadcast_in_dim3A_47, %select_n3A_30 : vector<128x4096xi1>, vector<128x4096xf32>
    %reduce_max3A_49 = arith.constant dense<0xFF800000> : vector<128xf32>
    %reduce_max3A_50 = vector.multi_reduction <maximumf>, %select_n3A_48, %reduce_max3A_49 [1] : vector<128x4096xf32> to vector<128xf32>
    %broadcast_in_dim3A_51 = vector.shape_cast %reduce_max3A_50 : vector<128xf32> to vector<128x1xf32>
    %eq3A_52 = vector.broadcast %broadcast_in_dim3A_51 : vector<128x1xf32> to vector<128x4096xf32>
    %eq3A_53 = arith.cmpf oeq, %select_n3A_48, %eq3A_52 : vector<128x4096xf32>
    %jit3A_54 = arith.constant 1.000000e+09 : f32
    %broadcast_in_dim3A_55 = vector.broadcast %jit3A_54 : f32 to vector<128x4096xf32>
    %select_n3A_56 = arith.select %eq3A_53, %convert_element_type3A_25, %broadcast_in_dim3A_55 : vector<128x4096xi1>, vector<128x4096xf32>
    %reduce_min3A_57 = arith.constant dense<0x7F800000> : vector<128xf32>
    %reduce_min3A_58 = vector.multi_reduction <minimumf>, %select_n3A_56, %reduce_min3A_57 [1] : vector<128x4096xf32> to vector<128xf32>
    %broadcast_in_dim3A_59 = vector.shape_cast %reduce_min3A_58 : vector<128xf32> to vector<128x1xf32>
    %add3A_60 = vector.broadcast %convert_element_type3A_32 : f32 to vector<128x1xf32>
    %add3A_61 = arith.addf %broadcast_in_dim3A_59, %add3A_60 : vector<128x1xf32>
    %eq3A_62 = vector.broadcast %broadcast_in_dim3A_59 : vector<128x1xf32> to vector<128x4096xf32>
    %eq3A_63 = arith.cmpf oeq, %convert_element_type3A_25, %eq3A_62 : vector<128x4096xf32>
    %jit3A_64 = arith.constant 0xFF800000 : f32
    %broadcast_in_dim3A_65 = vector.broadcast %jit3A_64 : f32 to vector<128x4096xf32>
    %select_n3A_66 = arith.select %eq3A_63, %broadcast_in_dim3A_65, %select_n3A_48 : vector<128x4096xi1>, vector<128x4096xf32>
    %reduce_max3A_67 = arith.constant dense<0xFF800000> : vector<128xf32>
    %reduce_max3A_68 = vector.multi_reduction <maximumf>, %select_n3A_66, %reduce_max3A_67 [1] : vector<128x4096xf32> to vector<128xf32>
    %broadcast_in_dim3A_69 = vector.shape_cast %reduce_max3A_68 : vector<128xf32> to vector<128x1xf32>
    %eq3A_70 = vector.broadcast %broadcast_in_dim3A_69 : vector<128x1xf32> to vector<128x4096xf32>
    %eq3A_71 = arith.cmpf oeq, %select_n3A_66, %eq3A_70 : vector<128x4096xf32>
    %jit3A_72 = arith.constant 1.000000e+09 : f32
    %broadcast_in_dim3A_73 = vector.broadcast %jit3A_72 : f32 to vector<128x4096xf32>
    %select_n3A_74 = arith.select %eq3A_71, %convert_element_type3A_25, %broadcast_in_dim3A_73 : vector<128x4096xi1>, vector<128x4096xf32>
    %reduce_min3A_75 = arith.constant dense<0x7F800000> : vector<128xf32>
    %reduce_min3A_76 = vector.multi_reduction <minimumf>, %select_n3A_74, %reduce_min3A_75 [1] : vector<128x4096xf32> to vector<128xf32>
    %broadcast_in_dim3A_77 = vector.shape_cast %reduce_min3A_76 : vector<128xf32> to vector<128x1xf32>
    %add3A_78 = vector.broadcast %convert_element_type3A_32 : f32 to vector<128x1xf32>
    %add3A_79 = arith.addf %broadcast_in_dim3A_77, %add3A_78 : vector<128x1xf32>
    %eq3A_80 = vector.broadcast %broadcast_in_dim3A_77 : vector<128x1xf32> to vector<128x4096xf32>
    %eq3A_81 = arith.cmpf oeq, %convert_element_type3A_25, %eq3A_80 : vector<128x4096xf32>
    %jit3A_82 = arith.constant 0xFF800000 : f32
    %broadcast_in_dim3A_83 = vector.broadcast %jit3A_82 : f32 to vector<128x4096xf32>
    %select_n3A_84 = arith.select %eq3A_81, %broadcast_in_dim3A_83, %select_n3A_66 : vector<128x4096xi1>, vector<128x4096xf32>
    %reduce_max3A_85 = arith.constant dense<0xFF800000> : vector<128xf32>
    %reduce_max3A_86 = vector.multi_reduction <maximumf>, %select_n3A_84, %reduce_max3A_85 [1] : vector<128x4096xf32> to vector<128xf32>
    %broadcast_in_dim3A_87 = vector.shape_cast %reduce_max3A_86 : vector<128xf32> to vector<128x1xf32>
    %eq3A_88 = vector.broadcast %broadcast_in_dim3A_87 : vector<128x1xf32> to vector<128x4096xf32>
    %eq3A_89 = arith.cmpf oeq, %select_n3A_84, %eq3A_88 : vector<128x4096xf32>
    %jit3A_90 = arith.constant 1.000000e+09 : f32
    %broadcast_in_dim3A_91 = vector.broadcast %jit3A_90 : f32 to vector<128x4096xf32>
    %select_n3A_92 = arith.select %eq3A_89, %convert_element_type3A_25, %broadcast_in_dim3A_91 : vector<128x4096xi1>, vector<128x4096xf32>
    %reduce_min3A_93 = arith.constant dense<0x7F800000> : vector<128xf32>
    %reduce_min3A_94 = vector.multi_reduction <minimumf>, %select_n3A_92, %reduce_min3A_93 [1] : vector<128x4096xf32> to vector<128xf32>
    %broadcast_in_dim3A_95 = vector.shape_cast %reduce_min3A_94 : vector<128xf32> to vector<128x1xf32>
    %add3A_96 = vector.broadcast %convert_element_type3A_32 : f32 to vector<128x1xf32>
    %add3A_97 = arith.addf %broadcast_in_dim3A_95, %add3A_96 : vector<128x1xf32>
    %eq3A_98 = vector.broadcast %broadcast_in_dim3A_95 : vector<128x1xf32> to vector<128x4096xf32>
    %eq3A_99 = arith.cmpf oeq, %convert_element_type3A_25, %eq3A_98 : vector<128x4096xf32>
    %jit3A_100 = arith.constant 0xFF800000 : f32
    %broadcast_in_dim3A_101 = vector.broadcast %jit3A_100 : f32 to vector<128x4096xf32>
    %select_n3A_102 = arith.select %eq3A_99, %broadcast_in_dim3A_101, %select_n3A_84 : vector<128x4096xi1>, vector<128x4096xf32>
    %reduce_max3A_103 = arith.constant dense<0xFF800000> : vector<128xf32>
    %reduce_max3A_104 = vector.multi_reduction <maximumf>, %select_n3A_102, %reduce_max3A_103 [1] : vector<128x4096xf32> to vector<128xf32>
    %broadcast_in_dim3A_105 = vector.shape_cast %reduce_max3A_104 : vector<128xf32> to vector<128x1xf32>
    %eq3A_106 = vector.broadcast %broadcast_in_dim3A_105 : vector<128x1xf32> to vector<128x4096xf32>
    %eq3A_107 = arith.cmpf oeq, %select_n3A_102, %eq3A_106 : vector<128x4096xf32>
    %jit3A_108 = arith.constant 1.000000e+09 : f32
    %broadcast_in_dim3A_109 = vector.broadcast %jit3A_108 : f32 to vector<128x4096xf32>
    %select_n3A_110 = arith.select %eq3A_107, %convert_element_type3A_25, %broadcast_in_dim3A_109 : vector<128x4096xi1>, vector<128x4096xf32>
    %reduce_min3A_111 = arith.constant dense<0x7F800000> : vector<128xf32>
    %reduce_min3A_112 = vector.multi_reduction <minimumf>, %select_n3A_110, %reduce_min3A_111 [1] : vector<128x4096xf32> to vector<128xf32>
    %broadcast_in_dim3A_113 = vector.shape_cast %reduce_min3A_112 : vector<128xf32> to vector<128x1xf32>
    %add3A_114 = vector.broadcast %convert_element_type3A_32 : f32 to vector<128x1xf32>
    %add3A_115 = arith.addf %broadcast_in_dim3A_113, %add3A_114 : vector<128x1xf32>
    %eq3A_116 = vector.broadcast %broadcast_in_dim3A_113 : vector<128x1xf32> to vector<128x4096xf32>
    %eq3A_117 = arith.cmpf oeq, %convert_element_type3A_25, %eq3A_116 : vector<128x4096xf32>
    %jit3A_118 = arith.constant 0xFF800000 : f32
    %broadcast_in_dim3A_119 = vector.broadcast %jit3A_118 : f32 to vector<128x4096xf32>
    %select_n3A_120 = arith.select %eq3A_117, %broadcast_in_dim3A_119, %select_n3A_102 : vector<128x4096xi1>, vector<128x4096xf32>
    %reduce_max3A_121 = arith.constant dense<0xFF800000> : vector<128xf32>
    %reduce_max3A_122 = vector.multi_reduction <maximumf>, %select_n3A_120, %reduce_max3A_121 [1] : vector<128x4096xf32> to vector<128xf32>
    %broadcast_in_dim3A_123 = vector.shape_cast %reduce_max3A_122 : vector<128xf32> to vector<128x1xf32>
    %eq3A_124 = vector.broadcast %broadcast_in_dim3A_123 : vector<128x1xf32> to vector<128x4096xf32>
    %eq3A_125 = arith.cmpf oeq, %select_n3A_120, %eq3A_124 : vector<128x4096xf32>
    %jit3A_126 = arith.constant 1.000000e+09 : f32
    %broadcast_in_dim3A_127 = vector.broadcast %jit3A_126 : f32 to vector<128x4096xf32>
    %select_n3A_128 = arith.select %eq3A_125, %convert_element_type3A_25, %broadcast_in_dim3A_127 : vector<128x4096xi1>, vector<128x4096xf32>
    %reduce_min3A_129 = arith.constant dense<0x7F800000> : vector<128xf32>
    %reduce_min3A_130 = vector.multi_reduction <minimumf>, %select_n3A_128, %reduce_min3A_129 [1] : vector<128x4096xf32> to vector<128xf32>
    %broadcast_in_dim3A_131 = vector.shape_cast %reduce_min3A_130 : vector<128xf32> to vector<128x1xf32>
    %add3A_132 = vector.broadcast %convert_element_type3A_32 : f32 to vector<128x1xf32>
    %add3A_133 = arith.addf %broadcast_in_dim3A_131, %add3A_132 : vector<128x1xf32>
    %eq3A_134 = vector.broadcast %broadcast_in_dim3A_131 : vector<128x1xf32> to vector<128x4096xf32>
    %eq3A_135 = arith.cmpf oeq, %convert_element_type3A_25, %eq3A_134 : vector<128x4096xf32>
    %jit3A_136 = arith.constant 0xFF800000 : f32
    %broadcast_in_dim3A_137 = vector.broadcast %jit3A_136 : f32 to vector<128x4096xf32>
    %select_n3A_138 = arith.select %eq3A_135, %broadcast_in_dim3A_137, %select_n3A_120 : vector<128x4096xi1>, vector<128x4096xf32>
    %reduce_max3A_139 = arith.constant dense<0xFF800000> : vector<128xf32>
    %reduce_max3A_140 = vector.multi_reduction <maximumf>, %select_n3A_138, %reduce_max3A_139 [1] : vector<128x4096xf32> to vector<128xf32>
    %broadcast_in_dim3A_141 = vector.shape_cast %reduce_max3A_140 : vector<128xf32> to vector<128x1xf32>
    %eq3A_142 = vector.broadcast %broadcast_in_dim3A_141 : vector<128x1xf32> to vector<128x4096xf32>
    %eq3A_143 = arith.cmpf oeq, %select_n3A_138, %eq3A_142 : vector<128x4096xf32>
    %jit3A_144 = arith.constant 1.000000e+09 : f32
    %broadcast_in_dim3A_145 = vector.broadcast %jit3A_144 : f32 to vector<128x4096xf32>
    %select_n3A_146 = arith.select %eq3A_143, %convert_element_type3A_25, %broadcast_in_dim3A_145 : vector<128x4096xi1>, vector<128x4096xf32>
    %reduce_min3A_147 = arith.constant dense<0x7F800000> : vector<128xf32>
    %reduce_min3A_148 = vector.multi_reduction <minimumf>, %select_n3A_146, %reduce_min3A_147 [1] : vector<128x4096xf32> to vector<128xf32>
    %broadcast_in_dim3A_149 = vector.shape_cast %reduce_min3A_148 : vector<128xf32> to vector<128x1xf32>
    %add3A_150 = vector.broadcast %convert_element_type3A_32 : f32 to vector<128x1xf32>
    %add3A_151 = arith.addf %broadcast_in_dim3A_149, %add3A_150 : vector<128x1xf32>
    %eq3A_152 = vector.broadcast %broadcast_in_dim3A_149 : vector<128x1xf32> to vector<128x4096xf32>
    %eq3A_153 = arith.cmpf oeq, %convert_element_type3A_25, %eq3A_152 : vector<128x4096xf32>
    %jit3A_154 = arith.constant 0xFF800000 : f32
    %broadcast_in_dim3A_155 = vector.broadcast %jit3A_154 : f32 to vector<128x4096xf32>
    %select_n3A_156 = arith.select %eq3A_153, %broadcast_in_dim3A_155, %select_n3A_138 : vector<128x4096xi1>, vector<128x4096xf32>
    %reduce_max3A_157 = arith.constant dense<0xFF800000> : vector<128xf32>
    %reduce_max3A_158 = vector.multi_reduction <maximumf>, %select_n3A_156, %reduce_max3A_157 [1] : vector<128x4096xf32> to vector<128xf32>
    %broadcast_in_dim3A_159 = vector.shape_cast %reduce_max3A_158 : vector<128xf32> to vector<128x1xf32>
    %eq3A_160 = vector.broadcast %broadcast_in_dim3A_159 : vector<128x1xf32> to vector<128x4096xf32>
    %eq3A_161 = arith.cmpf oeq, %select_n3A_156, %eq3A_160 : vector<128x4096xf32>
    %jit3A_162 = arith.constant 1.000000e+09 : f32
    %broadcast_in_dim3A_163 = vector.broadcast %jit3A_162 : f32 to vector<128x4096xf32>
    %select_n3A_164 = arith.select %eq3A_161, %convert_element_type3A_25, %broadcast_in_dim3A_163 : vector<128x4096xi1>, vector<128x4096xf32>
    %reduce_min3A_165 = arith.constant dense<0x7F800000> : vector<128xf32>
    %reduce_min3A_166 = vector.multi_reduction <minimumf>, %select_n3A_164, %reduce_min3A_165 [1] : vector<128x4096xf32> to vector<128xf32>
    %broadcast_in_dim3A_167 = vector.shape_cast %reduce_min3A_166 : vector<128xf32> to vector<128x1xf32>
    %add3A_168 = vector.broadcast %convert_element_type3A_32 : f32 to vector<128x1xf32>
    %add3A_169 = arith.addf %broadcast_in_dim3A_167, %add3A_168 : vector<128x1xf32>
    %eq3A_170 = vector.broadcast %broadcast_in_dim3A_167 : vector<128x1xf32> to vector<128x4096xf32>
    %eq3A_171 = arith.cmpf oeq, %convert_element_type3A_25, %eq3A_170 : vector<128x4096xf32>
    %jit3A_172 = arith.constant 0xFF800000 : f32
    %broadcast_in_dim3A_173 = vector.broadcast %jit3A_172 : f32 to vector<128x4096xf32>
    %select_n3A_174 = arith.select %eq3A_171, %broadcast_in_dim3A_173, %select_n3A_156 : vector<128x4096xi1>, vector<128x4096xf32>
    %reduce_max3A_175 = arith.constant dense<0xFF800000> : vector<128xf32>
    %reduce_max3A_176 = vector.multi_reduction <maximumf>, %select_n3A_174, %reduce_max3A_175 [1] : vector<128x4096xf32> to vector<128xf32>
    %broadcast_in_dim3A_177 = vector.shape_cast %reduce_max3A_176 : vector<128xf32> to vector<128x1xf32>
    %eq3A_178 = vector.broadcast %broadcast_in_dim3A_177 : vector<128x1xf32> to vector<128x4096xf32>
    %eq3A_179 = arith.cmpf oeq, %select_n3A_174, %eq3A_178 : vector<128x4096xf32>
    %jit3A_180 = arith.constant 1.000000e+09 : f32
    %broadcast_in_dim3A_181 = vector.broadcast %jit3A_180 : f32 to vector<128x4096xf32>
    %select_n3A_182 = arith.select %eq3A_179, %convert_element_type3A_25, %broadcast_in_dim3A_181 : vector<128x4096xi1>, vector<128x4096xf32>
    %reduce_min3A_183 = arith.constant dense<0x7F800000> : vector<128xf32>
    %reduce_min3A_184 = vector.multi_reduction <minimumf>, %select_n3A_182, %reduce_min3A_183 [1] : vector<128x4096xf32> to vector<128xf32>
    %broadcast_in_dim3A_185 = vector.shape_cast %reduce_min3A_184 : vector<128xf32> to vector<128x1xf32>
    %add3A_186 = vector.broadcast %convert_element_type3A_32 : f32 to vector<128x1xf32>
    %add3A_187 = arith.addf %broadcast_in_dim3A_185, %add3A_186 : vector<128x1xf32>
    %eq3A_188 = vector.broadcast %broadcast_in_dim3A_185 : vector<128x1xf32> to vector<128x4096xf32>
    %eq3A_189 = arith.cmpf oeq, %convert_element_type3A_25, %eq3A_188 : vector<128x4096xf32>
    %jit3A_190 = arith.constant 0xFF800000 : f32
    %broadcast_in_dim3A_191 = vector.broadcast %jit3A_190 : f32 to vector<128x4096xf32>
    %select_n3A_192 = arith.select %eq3A_189, %broadcast_in_dim3A_191, %select_n3A_174 : vector<128x4096xi1>, vector<128x4096xf32>
    %reduce_max3A_193 = arith.constant dense<0xFF800000> : vector<128xf32>
    %reduce_max3A_194 = vector.multi_reduction <maximumf>, %select_n3A_192, %reduce_max3A_193 [1] : vector<128x4096xf32> to vector<128xf32>
    %broadcast_in_dim3A_195 = vector.shape_cast %reduce_max3A_194 : vector<128xf32> to vector<128x1xf32>
    %eq3A_196 = vector.broadcast %broadcast_in_dim3A_195 : vector<128x1xf32> to vector<128x4096xf32>
    %eq3A_197 = arith.cmpf oeq, %select_n3A_192, %eq3A_196 : vector<128x4096xf32>
    %jit3A_198 = arith.constant 1.000000e+09 : f32
    %broadcast_in_dim3A_199 = vector.broadcast %jit3A_198 : f32 to vector<128x4096xf32>
    %select_n3A_200 = arith.select %eq3A_197, %convert_element_type3A_25, %broadcast_in_dim3A_199 : vector<128x4096xi1>, vector<128x4096xf32>
    %reduce_min3A_201 = arith.constant dense<0x7F800000> : vector<128xf32>
    %reduce_min3A_202 = vector.multi_reduction <minimumf>, %select_n3A_200, %reduce_min3A_201 [1] : vector<128x4096xf32> to vector<128xf32>
    %broadcast_in_dim3A_203 = vector.shape_cast %reduce_min3A_202 : vector<128xf32> to vector<128x1xf32>
    %add3A_204 = vector.broadcast %convert_element_type3A_32 : f32 to vector<128x1xf32>
    %add3A_205 = arith.addf %broadcast_in_dim3A_203, %add3A_204 : vector<128x1xf32>
    %eq3A_206 = vector.broadcast %broadcast_in_dim3A_203 : vector<128x1xf32> to vector<128x4096xf32>
    %eq3A_207 = arith.cmpf oeq, %convert_element_type3A_25, %eq3A_206 : vector<128x4096xf32>
    %jit3A_208 = arith.constant 0xFF800000 : f32
    %broadcast_in_dim3A_209 = vector.broadcast %jit3A_208 : f32 to vector<128x4096xf32>
    %select_n3A_210 = arith.select %eq3A_207, %broadcast_in_dim3A_209, %select_n3A_192 : vector<128x4096xi1>, vector<128x4096xf32>
    %reduce_max3A_211 = arith.constant dense<0xFF800000> : vector<128xf32>
    %reduce_max3A_212 = vector.multi_reduction <maximumf>, %select_n3A_210, %reduce_max3A_211 [1] : vector<128x4096xf32> to vector<128xf32>
    %broadcast_in_dim3A_213 = vector.shape_cast %reduce_max3A_212 : vector<128xf32> to vector<128x1xf32>
    %eq3A_214 = vector.broadcast %broadcast_in_dim3A_213 : vector<128x1xf32> to vector<128x4096xf32>
    %eq3A_215 = arith.cmpf oeq, %select_n3A_210, %eq3A_214 : vector<128x4096xf32>
    %jit3A_216 = arith.constant 1.000000e+09 : f32
    %broadcast_in_dim3A_217 = vector.broadcast %jit3A_216 : f32 to vector<128x4096xf32>
    %select_n3A_218 = arith.select %eq3A_215, %convert_element_type3A_25, %broadcast_in_dim3A_217 : vector<128x4096xi1>, vector<128x4096xf32>
    %reduce_min3A_219 = arith.constant dense<0x7F800000> : vector<128xf32>
    %reduce_min3A_220 = vector.multi_reduction <minimumf>, %select_n3A_218, %reduce_min3A_219 [1] : vector<128x4096xf32> to vector<128xf32>
    %broadcast_in_dim3A_221 = vector.shape_cast %reduce_min3A_220 : vector<128xf32> to vector<128x1xf32>
    %add3A_222 = vector.broadcast %convert_element_type3A_32 : f32 to vector<128x1xf32>
    %add3A_223 = arith.addf %broadcast_in_dim3A_221, %add3A_222 : vector<128x1xf32>
    %eq3A_224 = vector.broadcast %broadcast_in_dim3A_221 : vector<128x1xf32> to vector<128x4096xf32>
    %eq3A_225 = arith.cmpf oeq, %convert_element_type3A_25, %eq3A_224 : vector<128x4096xf32>
    %jit3A_226 = arith.constant 0xFF800000 : f32
    %broadcast_in_dim3A_227 = vector.broadcast %jit3A_226 : f32 to vector<128x4096xf32>
    %select_n3A_228 = arith.select %eq3A_225, %broadcast_in_dim3A_227, %select_n3A_210 : vector<128x4096xi1>, vector<128x4096xf32>
    %reduce_max3A_229 = arith.constant dense<0xFF800000> : vector<128xf32>
    %reduce_max3A_230 = vector.multi_reduction <maximumf>, %select_n3A_228, %reduce_max3A_229 [1] : vector<128x4096xf32> to vector<128xf32>
    %broadcast_in_dim3A_231 = vector.shape_cast %reduce_max3A_230 : vector<128xf32> to vector<128x1xf32>
    %eq3A_232 = vector.broadcast %broadcast_in_dim3A_231 : vector<128x1xf32> to vector<128x4096xf32>
    %eq3A_233 = arith.cmpf oeq, %select_n3A_228, %eq3A_232 : vector<128x4096xf32>
    %jit3A_234 = arith.constant 1.000000e+09 : f32
    %broadcast_in_dim3A_235 = vector.broadcast %jit3A_234 : f32 to vector<128x4096xf32>
    %select_n3A_236 = arith.select %eq3A_233, %convert_element_type3A_25, %broadcast_in_dim3A_235 : vector<128x4096xi1>, vector<128x4096xf32>
    %reduce_min3A_237 = arith.constant dense<0x7F800000> : vector<128xf32>
    %reduce_min3A_238 = vector.multi_reduction <minimumf>, %select_n3A_236, %reduce_min3A_237 [1] : vector<128x4096xf32> to vector<128xf32>
    %broadcast_in_dim3A_239 = vector.shape_cast %reduce_min3A_238 : vector<128xf32> to vector<128x1xf32>
    %add3A_240 = vector.broadcast %convert_element_type3A_32 : f32 to vector<128x1xf32>
    %add3A_241 = arith.addf %broadcast_in_dim3A_239, %add3A_240 : vector<128x1xf32>
    %eq3A_242 = vector.broadcast %broadcast_in_dim3A_239 : vector<128x1xf32> to vector<128x4096xf32>
    %eq3A_243 = arith.cmpf oeq, %convert_element_type3A_25, %eq3A_242 : vector<128x4096xf32>
    %jit3A_244 = arith.constant 0xFF800000 : f32
    %broadcast_in_dim3A_245 = vector.broadcast %jit3A_244 : f32 to vector<128x4096xf32>
    %select_n3A_246 = arith.select %eq3A_243, %broadcast_in_dim3A_245, %select_n3A_228 : vector<128x4096xi1>, vector<128x4096xf32>
    %reduce_max3A_247 = arith.constant dense<0xFF800000> : vector<128xf32>
    %reduce_max3A_248 = vector.multi_reduction <maximumf>, %select_n3A_246, %reduce_max3A_247 [1] : vector<128x4096xf32> to vector<128xf32>
    %broadcast_in_dim3A_249 = vector.shape_cast %reduce_max3A_248 : vector<128xf32> to vector<128x1xf32>
    %eq3A_250 = vector.broadcast %broadcast_in_dim3A_249 : vector<128x1xf32> to vector<128x4096xf32>
    %eq3A_251 = arith.cmpf oeq, %select_n3A_246, %eq3A_250 : vector<128x4096xf32>
    %jit3A_252 = arith.constant 1.000000e+09 : f32
    %broadcast_in_dim3A_253 = vector.broadcast %jit3A_252 : f32 to vector<128x4096xf32>
    %select_n3A_254 = arith.select %eq3A_251, %convert_element_type3A_25, %broadcast_in_dim3A_253 : vector<128x4096xi1>, vector<128x4096xf32>
    %reduce_min3A_255 = arith.constant dense<0x7F800000> : vector<128xf32>
    %reduce_min3A_256 = vector.multi_reduction <minimumf>, %select_n3A_254, %reduce_min3A_255 [1] : vector<128x4096xf32> to vector<128xf32>
    %broadcast_in_dim3A_257 = vector.shape_cast %reduce_min3A_256 : vector<128xf32> to vector<128x1xf32>
    %add3A_258 = vector.broadcast %convert_element_type3A_32 : f32 to vector<128x1xf32>
    %add3A_259 = arith.addf %broadcast_in_dim3A_257, %add3A_258 : vector<128x1xf32>
    %eq3A_260 = vector.broadcast %broadcast_in_dim3A_257 : vector<128x1xf32> to vector<128x4096xf32>
    %eq3A_261 = arith.cmpf oeq, %convert_element_type3A_25, %eq3A_260 : vector<128x4096xf32>
    %jit3A_262 = arith.constant 0xFF800000 : f32
    %broadcast_in_dim3A_263 = vector.broadcast %jit3A_262 : f32 to vector<128x4096xf32>
    %select_n3A_264 = arith.select %eq3A_261, %broadcast_in_dim3A_263, %select_n3A_246 : vector<128x4096xi1>, vector<128x4096xf32>
    %reduce_max3A_265 = arith.constant dense<0xFF800000> : vector<128xf32>
    %reduce_max3A_266 = vector.multi_reduction <maximumf>, %select_n3A_264, %reduce_max3A_265 [1] : vector<128x4096xf32> to vector<128xf32>
    %broadcast_in_dim3A_267 = vector.shape_cast %reduce_max3A_266 : vector<128xf32> to vector<128x1xf32>
    %eq3A_268 = vector.broadcast %broadcast_in_dim3A_267 : vector<128x1xf32> to vector<128x4096xf32>
    %eq3A_269 = arith.cmpf oeq, %select_n3A_264, %eq3A_268 : vector<128x4096xf32>
    %jit3A_270 = arith.constant 1.000000e+09 : f32
    %broadcast_in_dim3A_271 = vector.broadcast %jit3A_270 : f32 to vector<128x4096xf32>
    %select_n3A_272 = arith.select %eq3A_269, %convert_element_type3A_25, %broadcast_in_dim3A_271 : vector<128x4096xi1>, vector<128x4096xf32>
    %reduce_min3A_273 = arith.constant dense<0x7F800000> : vector<128xf32>
    %reduce_min3A_274 = vector.multi_reduction <minimumf>, %select_n3A_272, %reduce_min3A_273 [1] : vector<128x4096xf32> to vector<128xf32>
    %broadcast_in_dim3A_275 = vector.shape_cast %reduce_min3A_274 : vector<128xf32> to vector<128x1xf32>
    %add3A_276 = vector.broadcast %convert_element_type3A_32 : f32 to vector<128x1xf32>
    %add3A_277 = arith.addf %broadcast_in_dim3A_275, %add3A_276 : vector<128x1xf32>
    %eq3A_278 = vector.broadcast %broadcast_in_dim3A_275 : vector<128x1xf32> to vector<128x4096xf32>
    %eq3A_279 = arith.cmpf oeq, %convert_element_type3A_25, %eq3A_278 : vector<128x4096xf32>
    %jit3A_280 = arith.constant 0xFF800000 : f32
    %broadcast_in_dim3A_281 = vector.broadcast %jit3A_280 : f32 to vector<128x4096xf32>
    %select_n3A_282 = arith.select %eq3A_279, %broadcast_in_dim3A_281, %select_n3A_264 : vector<128x4096xi1>, vector<128x4096xf32>
    %reduce_max3A_283 = arith.constant dense<0xFF800000> : vector<128xf32>
    %reduce_max3A_284 = vector.multi_reduction <maximumf>, %select_n3A_282, %reduce_max3A_283 [1] : vector<128x4096xf32> to vector<128xf32>
    %broadcast_in_dim3A_285 = vector.shape_cast %reduce_max3A_284 : vector<128xf32> to vector<128x1xf32>
    %eq3A_286 = vector.broadcast %broadcast_in_dim3A_285 : vector<128x1xf32> to vector<128x4096xf32>
    %eq3A_287 = arith.cmpf oeq, %select_n3A_282, %eq3A_286 : vector<128x4096xf32>
    %jit3A_288 = arith.constant 1.000000e+09 : f32
    %broadcast_in_dim3A_289 = vector.broadcast %jit3A_288 : f32 to vector<128x4096xf32>
    %select_n3A_290 = arith.select %eq3A_287, %convert_element_type3A_25, %broadcast_in_dim3A_289 : vector<128x4096xi1>, vector<128x4096xf32>
    %reduce_min3A_291 = arith.constant dense<0x7F800000> : vector<128xf32>
    %reduce_min3A_292 = vector.multi_reduction <minimumf>, %select_n3A_290, %reduce_min3A_291 [1] : vector<128x4096xf32> to vector<128xf32>
    %broadcast_in_dim3A_293 = vector.shape_cast %reduce_min3A_292 : vector<128xf32> to vector<128x1xf32>
    %add3A_294 = vector.broadcast %convert_element_type3A_32 : f32 to vector<128x1xf32>
    %add3A_295 = arith.addf %broadcast_in_dim3A_293, %add3A_294 : vector<128x1xf32>
    %broadcast_in_dim3A_296 = arith.constant 0xFF800000 : f32
    %broadcast_in_dim3A_297 = vector.broadcast %broadcast_in_dim3A_296 : f32 to vector<128x113xf32>
    %concatenate3A = tpu.concatenate %broadcast_in_dim3A_34, %broadcast_in_dim3A_51, %broadcast_in_dim3A_69, %broadcast_in_dim3A_87, %broadcast_in_dim3A_105, %broadcast_in_dim3A_123, %broadcast_in_dim3A_141, %broadcast_in_dim3A_159, %broadcast_in_dim3A_177, %broadcast_in_dim3A_195, %broadcast_in_dim3A_213, %broadcast_in_dim3A_231, %broadcast_in_dim3A_249, %broadcast_in_dim3A_267, %broadcast_in_dim3A_285, %broadcast_in_dim3A_297 in 1 : vector<128x1xf32>, vector<128x1xf32>, vector<128x1xf32>, vector<128x1xf32>, vector<128x1xf32>, vector<128x1xf32>, vector<128x1xf32>, vector<128x1xf32>, vector<128x1xf32>, vector<128x1xf32>, vector<128x1xf32>, vector<128x1xf32>, vector<128x1xf32>, vector<128x1xf32>, vector<128x1xf32>, vector<128x113xf32> -> vector<128x128xf32>
    %broadcast_in_dim3A_298 = arith.constant 1.000000e+09 : f32
    %broadcast_in_dim3A_299 = vector.broadcast %broadcast_in_dim3A_298 : f32 to vector<128x113xf32>
    %concatenate3A_300 = tpu.concatenate %add3A_43, %add3A_61, %add3A_79, %add3A_97, %add3A_115, %add3A_133, %add3A_151, %add3A_169, %add3A_187, %add3A_205, %add3A_223, %add3A_241, %add3A_259, %add3A_277, %add3A_295, %broadcast_in_dim3A_299 in 1 : vector<128x1xf32>, vector<128x1xf32>, vector<128x1xf32>, vector<128x1xf32>, vector<128x1xf32>, vector<128x1xf32>, vector<128x1xf32>, vector<128x1xf32>, vector<128x1xf32>, vector<128x1xf32>, vector<128x1xf32>, vector<128x1xf32>, vector<128x1xf32>, vector<128x1xf32>, vector<128x1xf32>, vector<128x113xf32> -> vector<128x128xf32>
    %mul3A_301 = arith.constant 128 : i32
    %mul3A_302 = arith.muli %arg0, %mul3A_301 : i32
    %swap3A = arith.constant 0 : index
    %swap3A_303 = arith.index_cast %mul3A_302 : i32 to index
    %swap3A_304 = vector.load %arg6[%swap3A, %swap3A_303] : memref<128x3200xf32, #tpu.memory_space<vmem>>, vector<128x128xf32>
    tpu.vector_store %arg6[%swap3A, %swap3A_303], %concatenate3A {strides = array<i32>} : memref<128x3200xf32, #tpu.memory_space<vmem>>, vector<128x128xf32>,
    %mul3A_305 = arith.constant 128 : i32
    %mul3A_306 = arith.muli %arg0, %mul3A_305 : i32
    %swap3A_307 = arith.constant 0 : index
    %swap3A_308 = arith.index_cast %mul3A_306 : i32 to index
    %swap3A_309 = vector.load %arg7[%swap3A_307, %swap3A_308] : memref<128x3200xf32, #tpu.memory_space<vmem>>, vector<128x128xf32>
    tpu.vector_store %arg7[%swap3A_307, %swap3A_308], %concatenate3A_300 {strides = array<i32>} : memref<128x3200xf32, #tpu.memory_space<vmem>>, vector<128x128xf32>,
    %convert_element_type3A_310 = arith.extui %eq3A_17 : i1 to i32
    %cond3A_311 = arith.constant 0 : i32
    %cond3A_312 = arith.cmpi ne, %convert_element_type3A_310, %cond3A_311 : i32
    scf.if %cond3A_312 {
      %get3A_313 = arith.constant 0 : index
      %get3A_314 = arith.constant 0 : index
      %get3A_315 = vector.load %arg6[%get3A_313, %get3A_314] : memref<128x3200xf32, #tpu.memory_space<vmem>>, vector<128x16xf32>
      %get3A_316 = arith.constant 0 : index
      %get3A_317 = arith.constant 128 : index
      %get3A_318 = vector.load %arg6[%get3A_316, %get3A_317] : memref<128x3200xf32, #tpu.memory_space<vmem>>, vector<128x16xf32>
      %get3A_319 = arith.constant 0 : index
      %get3A_320 = arith.constant 256 : index
      %get3A_321 = vector.load %arg6[%get3A_319, %get3A_320] : memref<128x3200xf32, #tpu.memory_space<vmem>>, vector<128x16xf32>
      %get3A_322 = arith.constant 0 : index
      %get3A_323 = arith.constant 384 : index
      %get3A_324 = vector.load %arg6[%get3A_322, %get3A_323] : memref<128x3200xf32, #tpu.memory_space<vmem>>, vector<128x16xf32>
      %get3A_325 = arith.constant 0 : index
      %get3A_326 = arith.constant 512 : index
      %get3A_327 = vector.load %arg6[%get3A_325, %get3A_326] : memref<128x3200xf32, #tpu.memory_space<vmem>>, vector<128x16xf32>
      %get3A_328 = arith.constant 0 : index
      %get3A_329 = arith.constant 640 : index
      %get3A_330 = vector.load %arg6[%get3A_328, %get3A_329] : memref<128x3200xf32, #tpu.memory_space<vmem>>, vector<128x16xf32>
      %get3A_331 = arith.constant 0 : index
      %get3A_332 = arith.constant 768 : index
      %get3A_333 = vector.load %arg6[%get3A_331, %get3A_332] : memref<128x3200xf32, #tpu.memory_space<vmem>>, vector<128x16xf32>
      %get3A_334 = arith.constant 0 : index
      %get3A_335 = arith.constant 896 : index
      %get3A_336 = vector.load %arg6[%get3A_334, %get3A_335] : memref<128x3200xf32, #tpu.memory_space<vmem>>, vector<128x16xf32>
      %get3A_337 = arith.constant 0 : index
      %get3A_338 = arith.constant 1024 : index
      %get3A_339 = vector.load %arg6[%get3A_337, %get3A_338] : memref<128x3200xf32, #tpu.memory_space<vmem>>, vector<128x16xf32>
      %get3A_340 = arith.constant 0 : index
      %get3A_341 = arith.constant 1152 : index
      %get3A_342 = vector.load %arg6[%get3A_340, %get3A_341] : memref<128x3200xf32, #tpu.memory_space<vmem>>, vector<128x16xf32>
      %get3A_343 = arith.constant 0 : index
      %get3A_344 = arith.constant 1280 : index
      %get3A_345 = vector.load %arg6[%get3A_343, %get3A_344] : memref<128x3200xf32, #tpu.memory_space<vmem>>, vector<128x16xf32>
      %get3A_346 = arith.constant 0 : index
      %get3A_347 = arith.constant 1408 : index
      %get3A_348 = vector.load %arg6[%get3A_346, %get3A_347] : memref<128x3200xf32, #tpu.memory_space<vmem>>, vector<128x16xf32>
      %get3A_349 = arith.constant 0 : index
      %get3A_350 = arith.constant 1536 : index
      %get3A_351 = vector.load %arg6[%get3A_349, %get3A_350] : memref<128x3200xf32, #tpu.memory_space<vmem>>, vector<128x16xf32>
      %get3A_352 = arith.constant 0 : index
      %get3A_353 = arith.constant 1664 : index
      %get3A_354 = vector.load %arg6[%get3A_352, %get3A_353] : memref<128x3200xf32, #tpu.memory_space<vmem>>, vector<128x16xf32>
      %get3A_355 = arith.constant 0 : index
      %get3A_356 = arith.constant 1792 : index
      %get3A_357 = vector.load %arg6[%get3A_355, %get3A_356] : memref<128x3200xf32, #tpu.memory_space<vmem>>, vector<128x16xf32>
      %get3A_358 = arith.constant 0 : index
      %get3A_359 = arith.constant 1920 : index
      %get3A_360 = vector.load %arg6[%get3A_358, %get3A_359] : memref<128x3200xf32, #tpu.memory_space<vmem>>, vector<128x16xf32>
      %get3A_361 = arith.constant 0 : index
      %get3A_362 = arith.constant 2048 : index
      %get3A_363 = vector.load %arg6[%get3A_361, %get3A_362] : memref<128x3200xf32, #tpu.memory_space<vmem>>, vector<128x16xf32>
      %get3A_364 = arith.constant 0 : index
      %get3A_365 = arith.constant 2176 : index
      %get3A_366 = vector.load %arg6[%get3A_364, %get3A_365] : memref<128x3200xf32, #tpu.memory_space<vmem>>, vector<128x16xf32>
      %get3A_367 = arith.constant 0 : index
      %get3A_368 = arith.constant 2304 : index
      %get3A_369 = vector.load %arg6[%get3A_367, %get3A_368] : memref<128x3200xf32, #tpu.memory_space<vmem>>, vector<128x16xf32>
      %get3A_370 = arith.constant 0 : index
      %get3A_371 = arith.constant 2432 : index
      %get3A_372 = vector.load %arg6[%get3A_370, %get3A_371] : memref<128x3200xf32, #tpu.memory_space<vmem>>, vector<128x16xf32>
      %get3A_373 = arith.constant 0 : index
      %get3A_374 = arith.constant 2560 : index
      %get3A_375 = vector.load %arg6[%get3A_373, %get3A_374] : memref<128x3200xf32, #tpu.memory_space<vmem>>, vector<128x16xf32>
      %get3A_376 = arith.constant 0 : index
      %get3A_377 = arith.constant 2688 : index
      %get3A_378 = vector.load %arg6[%get3A_376, %get3A_377] : memref<128x3200xf32, #tpu.memory_space<vmem>>, vector<128x16xf32>
      %get3A_379 = arith.constant 0 : index
      %get3A_380 = arith.constant 2816 : index
      %get3A_381 = vector.load %arg6[%get3A_379, %get3A_380] : memref<128x3200xf32, #tpu.memory_space<vmem>>, vector<128x16xf32>
      %get3A_382 = arith.constant 0 : index
      %get3A_383 = arith.constant 2944 : index
      %get3A_384 = vector.load %arg6[%get3A_382, %get3A_383] : memref<128x3200xf32, #tpu.memory_space<vmem>>, vector<128x16xf32>
      %get3A_385 = arith.constant 0 : index
      %get3A_386 = arith.constant 3072 : index
      %get3A_387 = vector.load %arg6[%get3A_385, %get3A_386] : memref<128x3200xf32, #tpu.memory_space<vmem>>, vector<128x16xf32>
      %broadcast_in_dim3A_388 = arith.constant 0xFF800000 : f32
      %broadcast_in_dim3A_389 = vector.broadcast %broadcast_in_dim3A_388 : f32 to vector<128x112xf32>
      %concatenate3A_390 = tpu.concatenate %get3A_315, %get3A_318, %get3A_321, %get3A_324, %get3A_327, %get3A_330, %get3A_333, %get3A_336, %get3A_339, %get3A_342, %get3A_345, %get3A_348, %get3A_351, %get3A_354, %get3A_357, %get3A_360, %get3A_363, %get3A_366, %get3A_369, %get3A_372, %get3A_375, %get3A_378, %get3A_381, %get3A_384, %get3A_387, %broadcast_in_dim3A_389 in 1 : vector<128x16xf32>, vector<128x16xf32>, vector<128x16xf32>, vector<128x16xf32>, vector<128x16xf32>, vector<128x16xf32>, vector<128x16xf32>, vector<128x16xf32>, vector<128x16xf32>, vector<128x16xf32>, vector<128x16xf32>, vector<128x16xf32>, vector<128x16xf32>, vector<128x16xf32>, vector<128x16xf32>, vector<128x16xf32>, vector<128x16xf32>, vector<128x16xf32>, vector<128x16xf32>, vector<128x16xf32>, vector<128x16xf32>, vector<128x16xf32>, vector<128x16xf32>, vector<128x16xf32>, vector<128x16xf32>, vector<128x112xf32> -> vector<128x512xf32>
      %get3A_391 = arith.constant 0 : index
      %get3A_392 = arith.constant 0 : index
      %get3A_393 = vector.load %arg7[%get3A_391, %get3A_392] : memref<128x3200xf32, #tpu.memory_space<vmem>>, vector<128x16xf32>
      %get3A_394 = arith.constant 0 : index
      %get3A_395 = arith.constant 128 : index
      %get3A_396 = vector.load %arg7[%get3A_394, %get3A_395] : memref<128x3200xf32, #tpu.memory_space<vmem>>, vector<128x16xf32>
      %get3A_397 = arith.constant 0 : index
      %get3A_398 = arith.constant 256 : index
      %get3A_399 = vector.load %arg7[%get3A_397, %get3A_398] : memref<128x3200xf32, #tpu.memory_space<vmem>>, vector<128x16xf32>
      %get3A_400 = arith.constant 0 : index
      %get3A_401 = arith.constant 384 : index
      %get3A_402 = vector.load %arg7[%get3A_400, %get3A_401] : memref<128x3200xf32, #tpu.memory_space<vmem>>, vector<128x16xf32>
      %get3A_403 = arith.constant 0 : index
      %get3A_404 = arith.constant 512 : index
      %get3A_405 = vector.load %arg7[%get3A_403, %get3A_404] : memref<128x3200xf32, #tpu.memory_space<vmem>>, vector<128x16xf32>
      %get3A_406 = arith.constant 0 : index
      %get3A_407 = arith.constant 640 : index
      %get3A_408 = vector.load %arg7[%get3A_406, %get3A_407] : memref<128x3200xf32, #tpu.memory_space<vmem>>, vector<128x16xf32>
      %get3A_409 = arith.constant 0 : index
      %get3A_410 = arith.constant 768 : index
      %get3A_411 = vector.load %arg7[%get3A_409, %get3A_410] : memref<128x3200xf32, #tpu.memory_space<vmem>>, vector<128x16xf32>
      %get3A_412 = arith.constant 0 : index
      %get3A_413 = arith.constant 896 : index
      %get3A_414 = vector.load %arg7[%get3A_412, %get3A_413] : memref<128x3200xf32, #tpu.memory_space<vmem>>, vector<128x16xf32>
      %get3A_415 = arith.constant 0 : index
      %get3A_416 = arith.constant 1024 : index
      %get3A_417 = vector.load %arg7[%get3A_415, %get3A_416] : memref<128x3200xf32, #tpu.memory_space<vmem>>, vector<128x16xf32>
      %get3A_418 = arith.constant 0 : index
      %get3A_419 = arith.constant 1152 : index
      %get3A_420 = vector.load %arg7[%get3A_418, %get3A_419] : memref<128x3200xf32, #tpu.memory_space<vmem>>, vector<128x16xf32>
      %get3A_421 = arith.constant 0 : index
      %get3A_422 = arith.constant 1280 : index
      %get3A_423 = vector.load %arg7[%get3A_421, %get3A_422] : memref<128x3200xf32, #tpu.memory_space<vmem>>, vector<128x16xf32>
      %get3A_424 = arith.constant 0 : index
      %get3A_425 = arith.constant 1408 : index
      %get3A_426 = vector.load %arg7[%get3A_424, %get3A_425] : memref<128x3200xf32, #tpu.memory_space<vmem>>, vector<128x16xf32>
      %get3A_427 = arith.constant 0 : index
      %get3A_428 = arith.constant 1536 : index
      %get3A_429 = vector.load %arg7[%get3A_427, %get3A_428] : memref<128x3200xf32, #tpu.memory_space<vmem>>, vector<128x16xf32>
      %get3A_430 = arith.constant 0 : index
      %get3A_431 = arith.constant 1664 : index
      %get3A_432 = vector.load %arg7[%get3A_430, %get3A_431] : memref<128x3200xf32, #tpu.memory_space<vmem>>, vector<128x16xf32>
      %get3A_433 = arith.constant 0 : index
      %get3A_434 = arith.constant 1792 : index
      %get3A_435 = vector.load %arg7[%get3A_433, %get3A_434] : memref<128x3200xf32, #tpu.memory_space<vmem>>, vector<128x16xf32>
      %get3A_436 = arith.constant 0 : index
      %get3A_437 = arith.constant 1920 : index
      %get3A_438 = vector.load %arg7[%get3A_436, %get3A_437] : memref<128x3200xf32, #tpu.memory_space<vmem>>, vector<128x16xf32>
      %get3A_439 = arith.constant 0 : index
      %get3A_440 = arith.constant 2048 : index
      %get3A_441 = vector.load %arg7[%get3A_439, %get3A_440] : memref<128x3200xf32, #tpu.memory_space<vmem>>, vector<128x16xf32>
      %get3A_442 = arith.constant 0 : index
      %get3A_443 = arith.constant 2176 : index
      %get3A_444 = vector.load %arg7[%get3A_442, %get3A_443] : memref<128x3200xf32, #tpu.memory_space<vmem>>, vector<128x16xf32>
      %get3A_445 = arith.constant 0 : index
      %get3A_446 = arith.constant 2304 : index
      %get3A_447 = vector.load %arg7[%get3A_445, %get3A_446] : memref<128x3200xf32, #tpu.memory_space<vmem>>, vector<128x16xf32>
      %get3A_448 = arith.constant 0 : index
      %get3A_449 = arith.constant 2432 : index
      %get3A_450 = vector.load %arg7[%get3A_448, %get3A_449] : memref<128x3200xf32, #tpu.memory_space<vmem>>, vector<128x16xf32>
      %get3A_451 = arith.constant 0 : index
      %get3A_452 = arith.constant 2560 : index
      %get3A_453 = vector.load %arg7[%get3A_451, %get3A_452] : memref<128x3200xf32, #tpu.memory_space<vmem>>, vector<128x16xf32>
      %get3A_454 = arith.constant 0 : index
      %get3A_455 = arith.constant 2688 : index
      %get3A_456 = vector.load %arg7[%get3A_454, %get3A_455] : memref<128x3200xf32, #tpu.memory_space<vmem>>, vector<128x16xf32>
      %get3A_457 = arith.constant 0 : index
      %get3A_458 = arith.constant 2816 : index
      %get3A_459 = vector.load %arg7[%get3A_457, %get3A_458] : memref<128x3200xf32, #tpu.memory_space<vmem>>, vector<128x16xf32>
      %get3A_460 = arith.constant 0 : index
      %get3A_461 = arith.constant 2944 : index
      %get3A_462 = vector.load %arg7[%get3A_460, %get3A_461] : memref<128x3200xf32, #tpu.memory_space<vmem>>, vector<128x16xf32>
      %get3A_463 = arith.constant 0 : index
      %get3A_464 = arith.constant 3072 : index
      %get3A_465 = vector.load %arg7[%get3A_463, %get3A_464] : memref<128x3200xf32, #tpu.memory_space<vmem>>, vector<128x16xf32>
      %broadcast_in_dim3A_466 = arith.constant 1.000000e+09 : f32
      %broadcast_in_dim3A_467 = vector.broadcast %broadcast_in_dim3A_466 : f32 to vector<128x112xf32>
      %concatenate3A_468 = tpu.concatenate %get3A_393, %get3A_396, %get3A_399, %get3A_402, %get3A_405, %get3A_408, %get3A_411, %get3A_414, %get3A_417, %get3A_420, %get3A_423, %get3A_426, %get3A_429, %get3A_432, %get3A_435, %get3A_438, %get3A_441, %get3A_444, %get3A_447, %get3A_450, %get3A_453, %get3A_456, %get3A_459, %get3A_462, %get3A_465, %broadcast_in_dim3A_467 in 1 : vector<128x16xf32>, vector<128x16xf32>, vector<128x16xf32>, vector<128x16xf32>, vector<128x16xf32>, vector<128x16xf32>, vector<128x16xf32>, vector<128x16xf32>, vector<128x16xf32>, vector<128x16xf32>, vector<128x16xf32>, vector<128x16xf32>, vector<128x16xf32>, vector<128x16xf32>, vector<128x16xf32>, vector<128x16xf32>, vector<128x16xf32>, vector<128x16xf32>, vector<128x16xf32>, vector<128x16xf32>, vector<128x16xf32>, vector<128x16xf32>, vector<128x16xf32>, vector<128x16xf32>, vector<128x16xf32>, vector<128x112xf32> -> vector<128x512xf32>
      %reduce_max3A_469 = arith.constant dense<0xFF800000> : vector<128xf32>
      %reduce_max3A_470 = vector.multi_reduction <maximumf>, %concatenate3A_390, %reduce_max3A_469 [1] : vector<128x512xf32> to vector<128xf32>
      %broadcast_in_dim3A_471 = vector.shape_cast %reduce_max3A_470 : vector<128xf32> to vector<128x1xf32>
      %eq3A_472 = vector.broadcast %broadcast_in_dim3A_471 : vector<128x1xf32> to vector<128x512xf32>
      %eq3A_473 = arith.cmpf oeq, %concatenate3A_390, %eq3A_472 : vector<128x512xf32>
      %jit3A_474 = arith.constant 1.000000e+09 : f32
      %broadcast_in_dim3A_475 = vector.broadcast %jit3A_474 : f32 to vector<128x512xf32>
      %select_n3A_476 = arith.select %eq3A_473, %concatenate3A_468, %broadcast_in_dim3A_475 : vector<128x512xi1>, vector<128x512xf32>
      %reduce_min3A_477 = arith.constant dense<0x7F800000> : vector<128xf32>
      %reduce_min3A_478 = vector.multi_reduction <minimumf>, %select_n3A_476, %reduce_min3A_477 [1] : vector<128x512xf32> to vector<128xf32>
      %broadcast_in_dim3A_479 = vector.shape_cast %reduce_min3A_478 : vector<128xf32> to vector<128x1xf32>
      %eq3A_480 = vector.broadcast %broadcast_in_dim3A_471 : vector<128x1xf32> to vector<128x512xf32>
      %eq3A_481 = arith.cmpf oeq, %concatenate3A_390, %eq3A_480 : vector<128x512xf32>
      %eq3A_482 = vector.broadcast %broadcast_in_dim3A_479 : vector<128x1xf32> to vector<128x512xf32>
      %eq3A_483 = arith.cmpf oeq, %concatenate3A_468, %eq3A_482 : vector<128x512xf32>
      %and3A = arith.andi %eq3A_481, %eq3A_483 : vector<128x512xi1>
      %jit3A_484 = arith.constant 0xFF800000 : f32
      %broadcast_in_dim3A_485 = vector.broadcast %jit3A_484 : f32 to vector<128x512xf32>
      %select_n3A_486 = arith.select %and3A, %broadcast_in_dim3A_485, %concatenate3A_390 : vector<128x512xi1>, vector<128x512xf32>
      %reduce_max3A_487 = arith.constant dense<0xFF800000> : vector<128xf32>
      %reduce_max3A_488 = vector.multi_reduction <maximumf>, %select_n3A_486, %reduce_max3A_487 [1] : vector<128x512xf32> to vector<128xf32>
      %broadcast_in_dim3A_489 = vector.shape_cast %reduce_max3A_488 : vector<128xf32> to vector<128x1xf32>
      %eq3A_490 = vector.broadcast %broadcast_in_dim3A_489 : vector<128x1xf32> to vector<128x512xf32>
      %eq3A_491 = arith.cmpf oeq, %select_n3A_486, %eq3A_490 : vector<128x512xf32>
      %jit3A_492 = arith.constant 1.000000e+09 : f32
      %broadcast_in_dim3A_493 = vector.broadcast %jit3A_492 : f32 to vector<128x512xf32>
      %select_n3A_494 = arith.select %eq3A_491, %concatenate3A_468, %broadcast_in_dim3A_493 : vector<128x512xi1>, vector<128x512xf32>
      %reduce_min3A_495 = arith.constant dense<0x7F800000> : vector<128xf32>
      %reduce_min3A_496 = vector.multi_reduction <minimumf>, %select_n3A_494, %reduce_min3A_495 [1] : vector<128x512xf32> to vector<128xf32>
      %broadcast_in_dim3A_497 = vector.shape_cast %reduce_min3A_496 : vector<128xf32> to vector<128x1xf32>
      %eq3A_498 = vector.broadcast %broadcast_in_dim3A_489 : vector<128x1xf32> to vector<128x512xf32>
      %eq3A_499 = arith.cmpf oeq, %select_n3A_486, %eq3A_498 : vector<128x512xf32>
      %eq3A_500 = vector.broadcast %broadcast_in_dim3A_497 : vector<128x1xf32> to vector<128x512xf32>
      %eq3A_501 = arith.cmpf oeq, %concatenate3A_468, %eq3A_500 : vector<128x512xf32>
      %and3A_502 = arith.andi %eq3A_499, %eq3A_501 : vector<128x512xi1>
      %jit3A_503 = arith.constant 0xFF800000 : f32
      %broadcast_in_dim3A_504 = vector.broadcast %jit3A_503 : f32 to vector<128x512xf32>
      %select_n3A_505 = arith.select %and3A_502, %broadcast_in_dim3A_504, %select_n3A_486 : vector<128x512xi1>, vector<128x512xf32>
      %reduce_max3A_506 = arith.constant dense<0xFF800000> : vector<128xf32>
      %reduce_max3A_507 = vector.multi_reduction <maximumf>, %select_n3A_505, %reduce_max3A_506 [1] : vector<128x512xf32> to vector<128xf32>
      %broadcast_in_dim3A_508 = vector.shape_cast %reduce_max3A_507 : vector<128xf32> to vector<128x1xf32>
      %eq3A_509 = vector.broadcast %broadcast_in_dim3A_508 : vector<128x1xf32> to vector<128x512xf32>
      %eq3A_510 = arith.cmpf oeq, %select_n3A_505, %eq3A_509 : vector<128x512xf32>
      %jit3A_511 = arith.constant 1.000000e+09 : f32
      %broadcast_in_dim3A_512 = vector.broadcast %jit3A_511 : f32 to vector<128x512xf32>
      %select_n3A_513 = arith.select %eq3A_510, %concatenate3A_468, %broadcast_in_dim3A_512 : vector<128x512xi1>, vector<128x512xf32>
      %reduce_min3A_514 = arith.constant dense<0x7F800000> : vector<128xf32>
      %reduce_min3A_515 = vector.multi_reduction <minimumf>, %select_n3A_513, %reduce_min3A_514 [1] : vector<128x512xf32> to vector<128xf32>
      %broadcast_in_dim3A_516 = vector.shape_cast %reduce_min3A_515 : vector<128xf32> to vector<128x1xf32>
      %eq3A_517 = vector.broadcast %broadcast_in_dim3A_508 : vector<128x1xf32> to vector<128x512xf32>
      %eq3A_518 = arith.cmpf oeq, %select_n3A_505, %eq3A_517 : vector<128x512xf32>
      %eq3A_519 = vector.broadcast %broadcast_in_dim3A_516 : vector<128x1xf32> to vector<128x512xf32>
      %eq3A_520 = arith.cmpf oeq, %concatenate3A_468, %eq3A_519 : vector<128x512xf32>
      %and3A_521 = arith.andi %eq3A_518, %eq3A_520 : vector<128x512xi1>
      %jit3A_522 = arith.constant 0xFF800000 : f32
      %broadcast_in_dim3A_523 = vector.broadcast %jit3A_522 : f32 to vector<128x512xf32>
      %select_n3A_524 = arith.select %and3A_521, %broadcast_in_dim3A_523, %select_n3A_505 : vector<128x512xi1>, vector<128x512xf32>
      %reduce_max3A_525 = arith.constant dense<0xFF800000> : vector<128xf32>
      %reduce_max3A_526 = vector.multi_reduction <maximumf>, %select_n3A_524, %reduce_max3A_525 [1] : vector<128x512xf32> to vector<128xf32>
      %broadcast_in_dim3A_527 = vector.shape_cast %reduce_max3A_526 : vector<128xf32> to vector<128x1xf32>
      %eq3A_528 = vector.broadcast %broadcast_in_dim3A_527 : vector<128x1xf32> to vector<128x512xf32>
      %eq3A_529 = arith.cmpf oeq, %select_n3A_524, %eq3A_528 : vector<128x512xf32>
      %jit3A_530 = arith.constant 1.000000e+09 : f32
      %broadcast_in_dim3A_531 = vector.broadcast %jit3A_530 : f32 to vector<128x512xf32>
      %select_n3A_532 = arith.select %eq3A_529, %concatenate3A_468, %broadcast_in_dim3A_531 : vector<128x512xi1>, vector<128x512xf32>
      %reduce_min3A_533 = arith.constant dense<0x7F800000> : vector<128xf32>
      %reduce_min3A_534 = vector.multi_reduction <minimumf>, %select_n3A_532, %reduce_min3A_533 [1] : vector<128x512xf32> to vector<128xf32>
      %broadcast_in_dim3A_535 = vector.shape_cast %reduce_min3A_534 : vector<128xf32> to vector<128x1xf32>
      %eq3A_536 = vector.broadcast %broadcast_in_dim3A_527 : vector<128x1xf32> to vector<128x512xf32>
      %eq3A_537 = arith.cmpf oeq, %select_n3A_524, %eq3A_536 : vector<128x512xf32>
      %eq3A_538 = vector.broadcast %broadcast_in_dim3A_535 : vector<128x1xf32> to vector<128x512xf32>
      %eq3A_539 = arith.cmpf oeq, %concatenate3A_468, %eq3A_538 : vector<128x512xf32>
      %and3A_540 = arith.andi %eq3A_537, %eq3A_539 : vector<128x512xi1>
      %jit3A_541 = arith.constant 0xFF800000 : f32
      %broadcast_in_dim3A_542 = vector.broadcast %jit3A_541 : f32 to vector<128x512xf32>
      %select_n3A_543 = arith.select %and3A_540, %broadcast_in_dim3A_542, %select_n3A_524 : vector<128x512xi1>, vector<128x512xf32>
      %reduce_max3A_544 = arith.constant dense<0xFF800000> : vector<128xf32>
      %reduce_max3A_545 = vector.multi_reduction <maximumf>, %select_n3A_543, %reduce_max3A_544 [1] : vector<128x512xf32> to vector<128xf32>
      %broadcast_in_dim3A_546 = vector.shape_cast %reduce_max3A_545 : vector<128xf32> to vector<128x1xf32>
      %eq3A_547 = vector.broadcast %broadcast_in_dim3A_546 : vector<128x1xf32> to vector<128x512xf32>
      %eq3A_548 = arith.cmpf oeq, %select_n3A_543, %eq3A_547 : vector<128x512xf32>
      %jit3A_549 = arith.constant 1.000000e+09 : f32
      %broadcast_in_dim3A_550 = vector.broadcast %jit3A_549 : f32 to vector<128x512xf32>
      %select_n3A_551 = arith.select %eq3A_548, %concatenate3A_468, %broadcast_in_dim3A_550 : vector<128x512xi1>, vector<128x512xf32>
      %reduce_min3A_552 = arith.constant dense<0x7F800000> : vector<128xf32>
      %reduce_min3A_553 = vector.multi_reduction <minimumf>, %select_n3A_551, %reduce_min3A_552 [1] : vector<128x512xf32> to vector<128xf32>
      %broadcast_in_dim3A_554 = vector.shape_cast %reduce_min3A_553 : vector<128xf32> to vector<128x1xf32>
      %eq3A_555 = vector.broadcast %broadcast_in_dim3A_546 : vector<128x1xf32> to vector<128x512xf32>
      %eq3A_556 = arith.cmpf oeq, %select_n3A_543, %eq3A_555 : vector<128x512xf32>
      %eq3A_557 = vector.broadcast %broadcast_in_dim3A_554 : vector<128x1xf32> to vector<128x512xf32>
      %eq3A_558 = arith.cmpf oeq, %concatenate3A_468, %eq3A_557 : vector<128x512xf32>
      %and3A_559 = arith.andi %eq3A_556, %eq3A_558 : vector<128x512xi1>
      %jit3A_560 = arith.constant 0xFF800000 : f32
      %broadcast_in_dim3A_561 = vector.broadcast %jit3A_560 : f32 to vector<128x512xf32>
      %select_n3A_562 = arith.select %and3A_559, %broadcast_in_dim3A_561, %select_n3A_543 : vector<128x512xi1>, vector<128x512xf32>
      %reduce_max3A_563 = arith.constant dense<0xFF800000> : vector<128xf32>
      %reduce_max3A_564 = vector.multi_reduction <maximumf>, %select_n3A_562, %reduce_max3A_563 [1] : vector<128x512xf32> to vector<128xf32>
      %broadcast_in_dim3A_565 = vector.shape_cast %reduce_max3A_564 : vector<128xf32> to vector<128x1xf32>
      %eq3A_566 = vector.broadcast %broadcast_in_dim3A_565 : vector<128x1xf32> to vector<128x512xf32>
      %eq3A_567 = arith.cmpf oeq, %select_n3A_562, %eq3A_566 : vector<128x512xf32>
      %jit3A_568 = arith.constant 1.000000e+09 : f32
      %broadcast_in_dim3A_569 = vector.broadcast %jit3A_568 : f32 to vector<128x512xf32>
      %select_n3A_570 = arith.select %eq3A_567, %concatenate3A_468, %broadcast_in_dim3A_569 : vector<128x512xi1>, vector<128x512xf32>
      %reduce_min3A_571 = arith.constant dense<0x7F800000> : vector<128xf32>
      %reduce_min3A_572 = vector.multi_reduction <minimumf>, %select_n3A_570, %reduce_min3A_571 [1] : vector<128x512xf32> to vector<128xf32>
      %broadcast_in_dim3A_573 = vector.shape_cast %reduce_min3A_572 : vector<128xf32> to vector<128x1xf32>
      %eq3A_574 = vector.broadcast %broadcast_in_dim3A_565 : vector<128x1xf32> to vector<128x512xf32>
      %eq3A_575 = arith.cmpf oeq, %select_n3A_562, %eq3A_574 : vector<128x512xf32>
      %eq3A_576 = vector.broadcast %broadcast_in_dim3A_573 : vector<128x1xf32> to vector<128x512xf32>
      %eq3A_577 = arith.cmpf oeq, %concatenate3A_468, %eq3A_576 : vector<128x512xf32>
      %and3A_578 = arith.andi %eq3A_575, %eq3A_577 : vector<128x512xi1>
      %jit3A_579 = arith.constant 0xFF800000 : f32
      %broadcast_in_dim3A_580 = vector.broadcast %jit3A_579 : f32 to vector<128x512xf32>
      %select_n3A_581 = arith.select %and3A_578, %broadcast_in_dim3A_580, %select_n3A_562 : vector<128x512xi1>, vector<128x512xf32>
      %reduce_max3A_582 = arith.constant dense<0xFF800000> : vector<128xf32>
      %reduce_max3A_583 = vector.multi_reduction <maximumf>, %select_n3A_581, %reduce_max3A_582 [1] : vector<128x512xf32> to vector<128xf32>
      %broadcast_in_dim3A_584 = vector.shape_cast %reduce_max3A_583 : vector<128xf32> to vector<128x1xf32>
      %eq3A_585 = vector.broadcast %broadcast_in_dim3A_584 : vector<128x1xf32> to vector<128x512xf32>
      %eq3A_586 = arith.cmpf oeq, %select_n3A_581, %eq3A_585 : vector<128x512xf32>
      %jit3A_587 = arith.constant 1.000000e+09 : f32
      %broadcast_in_dim3A_588 = vector.broadcast %jit3A_587 : f32 to vector<128x512xf32>
      %select_n3A_589 = arith.select %eq3A_586, %concatenate3A_468, %broadcast_in_dim3A_588 : vector<128x512xi1>, vector<128x512xf32>
      %reduce_min3A_590 = arith.constant dense<0x7F800000> : vector<128xf32>
      %reduce_min3A_591 = vector.multi_reduction <minimumf>, %select_n3A_589, %reduce_min3A_590 [1] : vector<128x512xf32> to vector<128xf32>
      %broadcast_in_dim3A_592 = vector.shape_cast %reduce_min3A_591 : vector<128xf32> to vector<128x1xf32>
      %eq3A_593 = vector.broadcast %broadcast_in_dim3A_584 : vector<128x1xf32> to vector<128x512xf32>
      %eq3A_594 = arith.cmpf oeq, %select_n3A_581, %eq3A_593 : vector<128x512xf32>
      %eq3A_595 = vector.broadcast %broadcast_in_dim3A_592 : vector<128x1xf32> to vector<128x512xf32>
      %eq3A_596 = arith.cmpf oeq, %concatenate3A_468, %eq3A_595 : vector<128x512xf32>
      %and3A_597 = arith.andi %eq3A_594, %eq3A_596 : vector<128x512xi1>
      %jit3A_598 = arith.constant 0xFF800000 : f32
      %broadcast_in_dim3A_599 = vector.broadcast %jit3A_598 : f32 to vector<128x512xf32>
      %select_n3A_600 = arith.select %and3A_597, %broadcast_in_dim3A_599, %select_n3A_581 : vector<128x512xi1>, vector<128x512xf32>
      %reduce_max3A_601 = arith.constant dense<0xFF800000> : vector<128xf32>
      %reduce_max3A_602 = vector.multi_reduction <maximumf>, %select_n3A_600, %reduce_max3A_601 [1] : vector<128x512xf32> to vector<128xf32>
      %broadcast_in_dim3A_603 = vector.shape_cast %reduce_max3A_602 : vector<128xf32> to vector<128x1xf32>
      %eq3A_604 = vector.broadcast %broadcast_in_dim3A_603 : vector<128x1xf32> to vector<128x512xf32>
      %eq3A_605 = arith.cmpf oeq, %select_n3A_600, %eq3A_604 : vector<128x512xf32>
      %jit3A_606 = arith.constant 1.000000e+09 : f32
      %broadcast_in_dim3A_607 = vector.broadcast %jit3A_606 : f32 to vector<128x512xf32>
      %select_n3A_608 = arith.select %eq3A_605, %concatenate3A_468, %broadcast_in_dim3A_607 : vector<128x512xi1>, vector<128x512xf32>
      %reduce_min3A_609 = arith.constant dense<0x7F800000> : vector<128xf32>
      %reduce_min3A_610 = vector.multi_reduction <minimumf>, %select_n3A_608, %reduce_min3A_609 [1] : vector<128x512xf32> to vector<128xf32>
      %broadcast_in_dim3A_611 = vector.shape_cast %reduce_min3A_610 : vector<128xf32> to vector<128x1xf32>
      %eq3A_612 = vector.broadcast %broadcast_in_dim3A_603 : vector<128x1xf32> to vector<128x512xf32>
      %eq3A_613 = arith.cmpf oeq, %select_n3A_600, %eq3A_612 : vector<128x512xf32>
      %eq3A_614 = vector.broadcast %broadcast_in_dim3A_611 : vector<128x1xf32> to vector<128x512xf32>
      %eq3A_615 = arith.cmpf oeq, %concatenate3A_468, %eq3A_614 : vector<128x512xf32>
      %and3A_616 = arith.andi %eq3A_613, %eq3A_615 : vector<128x512xi1>
      %jit3A_617 = arith.constant 0xFF800000 : f32
      %broadcast_in_dim3A_618 = vector.broadcast %jit3A_617 : f32 to vector<128x512xf32>
      %select_n3A_619 = arith.select %and3A_616, %broadcast_in_dim3A_618, %select_n3A_600 : vector<128x512xi1>, vector<128x512xf32>
      %reduce_max3A_620 = arith.constant dense<0xFF800000> : vector<128xf32>
      %reduce_max3A_621 = vector.multi_reduction <maximumf>, %select_n3A_619, %reduce_max3A_620 [1] : vector<128x512xf32> to vector<128xf32>
      %broadcast_in_dim3A_622 = vector.shape_cast %reduce_max3A_621 : vector<128xf32> to vector<128x1xf32>
      %eq3A_623 = vector.broadcast %broadcast_in_dim3A_622 : vector<128x1xf32> to vector<128x512xf32>
      %eq3A_624 = arith.cmpf oeq, %select_n3A_619, %eq3A_623 : vector<128x512xf32>
      %jit3A_625 = arith.constant 1.000000e+09 : f32
      %broadcast_in_dim3A_626 = vector.broadcast %jit3A_625 : f32 to vector<128x512xf32>
      %select_n3A_627 = arith.select %eq3A_624, %concatenate3A_468, %broadcast_in_dim3A_626 : vector<128x512xi1>, vector<128x512xf32>
      %reduce_min3A_628 = arith.constant dense<0x7F800000> : vector<128xf32>
      %reduce_min3A_629 = vector.multi_reduction <minimumf>, %select_n3A_627, %reduce_min3A_628 [1] : vector<128x512xf32> to vector<128xf32>
      %broadcast_in_dim3A_630 = vector.shape_cast %reduce_min3A_629 : vector<128xf32> to vector<128x1xf32>
      %eq3A_631 = vector.broadcast %broadcast_in_dim3A_622 : vector<128x1xf32> to vector<128x512xf32>
      %eq3A_632 = arith.cmpf oeq, %select_n3A_619, %eq3A_631 : vector<128x512xf32>
      %eq3A_633 = vector.broadcast %broadcast_in_dim3A_630 : vector<128x1xf32> to vector<128x512xf32>
      %eq3A_634 = arith.cmpf oeq, %concatenate3A_468, %eq3A_633 : vector<128x512xf32>
      %and3A_635 = arith.andi %eq3A_632, %eq3A_634 : vector<128x512xi1>
      %jit3A_636 = arith.constant 0xFF800000 : f32
      %broadcast_in_dim3A_637 = vector.broadcast %jit3A_636 : f32 to vector<128x512xf32>
      %select_n3A_638 = arith.select %and3A_635, %broadcast_in_dim3A_637, %select_n3A_619 : vector<128x512xi1>, vector<128x512xf32>
      %reduce_max3A_639 = arith.constant dense<0xFF800000> : vector<128xf32>
      %reduce_max3A_640 = vector.multi_reduction <maximumf>, %select_n3A_638, %reduce_max3A_639 [1] : vector<128x512xf32> to vector<128xf32>
      %broadcast_in_dim3A_641 = vector.shape_cast %reduce_max3A_640 : vector<128xf32> to vector<128x1xf32>
      %eq3A_642 = vector.broadcast %broadcast_in_dim3A_641 : vector<128x1xf32> to vector<128x512xf32>
      %eq3A_643 = arith.cmpf oeq, %select_n3A_638, %eq3A_642 : vector<128x512xf32>
      %jit3A_644 = arith.constant 1.000000e+09 : f32
      %broadcast_in_dim3A_645 = vector.broadcast %jit3A_644 : f32 to vector<128x512xf32>
      %select_n3A_646 = arith.select %eq3A_643, %concatenate3A_468, %broadcast_in_dim3A_645 : vector<128x512xi1>, vector<128x512xf32>
      %reduce_min3A_647 = arith.constant dense<0x7F800000> : vector<128xf32>
      %reduce_min3A_648 = vector.multi_reduction <minimumf>, %select_n3A_646, %reduce_min3A_647 [1] : vector<128x512xf32> to vector<128xf32>
      %broadcast_in_dim3A_649 = vector.shape_cast %reduce_min3A_648 : vector<128xf32> to vector<128x1xf32>
      %eq3A_650 = vector.broadcast %broadcast_in_dim3A_641 : vector<128x1xf32> to vector<128x512xf32>
      %eq3A_651 = arith.cmpf oeq, %select_n3A_638, %eq3A_650 : vector<128x512xf32>
      %eq3A_652 = vector.broadcast %broadcast_in_dim3A_649 : vector<128x1xf32> to vector<128x512xf32>
      %eq3A_653 = arith.cmpf oeq, %concatenate3A_468, %eq3A_652 : vector<128x512xf32>
      %and3A_654 = arith.andi %eq3A_651, %eq3A_653 : vector<128x512xi1>
      %jit3A_655 = arith.constant 0xFF800000 : f32
      %broadcast_in_dim3A_656 = vector.broadcast %jit3A_655 : f32 to vector<128x512xf32>
      %select_n3A_657 = arith.select %and3A_654, %broadcast_in_dim3A_656, %select_n3A_638 : vector<128x512xi1>, vector<128x512xf32>
      %reduce_max3A_658 = arith.constant dense<0xFF800000> : vector<128xf32>
      %reduce_max3A_659 = vector.multi_reduction <maximumf>, %select_n3A_657, %reduce_max3A_658 [1] : vector<128x512xf32> to vector<128xf32>
      %broadcast_in_dim3A_660 = vector.shape_cast %reduce_max3A_659 : vector<128xf32> to vector<128x1xf32>
      %eq3A_661 = vector.broadcast %broadcast_in_dim3A_660 : vector<128x1xf32> to vector<128x512xf32>
      %eq3A_662 = arith.cmpf oeq, %select_n3A_657, %eq3A_661 : vector<128x512xf32>
      %jit3A_663 = arith.constant 1.000000e+09 : f32
      %broadcast_in_dim3A_664 = vector.broadcast %jit3A_663 : f32 to vector<128x512xf32>
      %select_n3A_665 = arith.select %eq3A_662, %concatenate3A_468, %broadcast_in_dim3A_664 : vector<128x512xi1>, vector<128x512xf32>
      %reduce_min3A_666 = arith.constant dense<0x7F800000> : vector<128xf32>
      %reduce_min3A_667 = vector.multi_reduction <minimumf>, %select_n3A_665, %reduce_min3A_666 [1] : vector<128x512xf32> to vector<128xf32>
      %broadcast_in_dim3A_668 = vector.shape_cast %reduce_min3A_667 : vector<128xf32> to vector<128x1xf32>
      %eq3A_669 = vector.broadcast %broadcast_in_dim3A_660 : vector<128x1xf32> to vector<128x512xf32>
      %eq3A_670 = arith.cmpf oeq, %select_n3A_657, %eq3A_669 : vector<128x512xf32>
      %eq3A_671 = vector.broadcast %broadcast_in_dim3A_668 : vector<128x1xf32> to vector<128x512xf32>
      %eq3A_672 = arith.cmpf oeq, %concatenate3A_468, %eq3A_671 : vector<128x512xf32>
      %and3A_673 = arith.andi %eq3A_670, %eq3A_672 : vector<128x512xi1>
      %jit3A_674 = arith.constant 0xFF800000 : f32
      %broadcast_in_dim3A_675 = vector.broadcast %jit3A_674 : f32 to vector<128x512xf32>
      %select_n3A_676 = arith.select %and3A_673, %broadcast_in_dim3A_675, %select_n3A_657 : vector<128x512xi1>, vector<128x512xf32>
      %reduce_max3A_677 = arith.constant dense<0xFF800000> : vector<128xf32>
      %reduce_max3A_678 = vector.multi_reduction <maximumf>, %select_n3A_676, %reduce_max3A_677 [1] : vector<128x512xf32> to vector<128xf32>
      %broadcast_in_dim3A_679 = vector.shape_cast %reduce_max3A_678 : vector<128xf32> to vector<128x1xf32>
      %eq3A_680 = vector.broadcast %broadcast_in_dim3A_679 : vector<128x1xf32> to vector<128x512xf32>
      %eq3A_681 = arith.cmpf oeq, %select_n3A_676, %eq3A_680 : vector<128x512xf32>
      %jit3A_682 = arith.constant 1.000000e+09 : f32
      %broadcast_in_dim3A_683 = vector.broadcast %jit3A_682 : f32 to vector<128x512xf32>
      %select_n3A_684 = arith.select %eq3A_681, %concatenate3A_468, %broadcast_in_dim3A_683 : vector<128x512xi1>, vector<128x512xf32>
      %reduce_min3A_685 = arith.constant dense<0x7F800000> : vector<128xf32>
      %reduce_min3A_686 = vector.multi_reduction <minimumf>, %select_n3A_684, %reduce_min3A_685 [1] : vector<128x512xf32> to vector<128xf32>
      %broadcast_in_dim3A_687 = vector.shape_cast %reduce_min3A_686 : vector<128xf32> to vector<128x1xf32>
      %eq3A_688 = vector.broadcast %broadcast_in_dim3A_679 : vector<128x1xf32> to vector<128x512xf32>
      %eq3A_689 = arith.cmpf oeq, %select_n3A_676, %eq3A_688 : vector<128x512xf32>
      %eq3A_690 = vector.broadcast %broadcast_in_dim3A_687 : vector<128x1xf32> to vector<128x512xf32>
      %eq3A_691 = arith.cmpf oeq, %concatenate3A_468, %eq3A_690 : vector<128x512xf32>
      %and3A_692 = arith.andi %eq3A_689, %eq3A_691 : vector<128x512xi1>
      %jit3A_693 = arith.constant 0xFF800000 : f32
      %broadcast_in_dim3A_694 = vector.broadcast %jit3A_693 : f32 to vector<128x512xf32>
      %select_n3A_695 = arith.select %and3A_692, %broadcast_in_dim3A_694, %select_n3A_676 : vector<128x512xi1>, vector<128x512xf32>
      %reduce_max3A_696 = arith.constant dense<0xFF800000> : vector<128xf32>
      %reduce_max3A_697 = vector.multi_reduction <maximumf>, %select_n3A_695, %reduce_max3A_696 [1] : vector<128x512xf32> to vector<128xf32>
      %broadcast_in_dim3A_698 = vector.shape_cast %reduce_max3A_697 : vector<128xf32> to vector<128x1xf32>
      %eq3A_699 = vector.broadcast %broadcast_in_dim3A_698 : vector<128x1xf32> to vector<128x512xf32>
      %eq3A_700 = arith.cmpf oeq, %select_n3A_695, %eq3A_699 : vector<128x512xf32>
      %jit3A_701 = arith.constant 1.000000e+09 : f32
      %broadcast_in_dim3A_702 = vector.broadcast %jit3A_701 : f32 to vector<128x512xf32>
      %select_n3A_703 = arith.select %eq3A_700, %concatenate3A_468, %broadcast_in_dim3A_702 : vector<128x512xi1>, vector<128x512xf32>
      %reduce_min3A_704 = arith.constant dense<0x7F800000> : vector<128xf32>
      %reduce_min3A_705 = vector.multi_reduction <minimumf>, %select_n3A_703, %reduce_min3A_704 [1] : vector<128x512xf32> to vector<128xf32>
      %broadcast_in_dim3A_706 = vector.shape_cast %reduce_min3A_705 : vector<128xf32> to vector<128x1xf32>
      %eq3A_707 = vector.broadcast %broadcast_in_dim3A_698 : vector<128x1xf32> to vector<128x512xf32>
      %eq3A_708 = arith.cmpf oeq, %select_n3A_695, %eq3A_707 : vector<128x512xf32>
      %eq3A_709 = vector.broadcast %broadcast_in_dim3A_706 : vector<128x1xf32> to vector<128x512xf32>
      %eq3A_710 = arith.cmpf oeq, %concatenate3A_468, %eq3A_709 : vector<128x512xf32>
      %and3A_711 = arith.andi %eq3A_708, %eq3A_710 : vector<128x512xi1>
      %jit3A_712 = arith.constant 0xFF800000 : f32
      %broadcast_in_dim3A_713 = vector.broadcast %jit3A_712 : f32 to vector<128x512xf32>
      %select_n3A_714 = arith.select %and3A_711, %broadcast_in_dim3A_713, %select_n3A_695 : vector<128x512xi1>, vector<128x512xf32>
      %reduce_max3A_715 = arith.constant dense<0xFF800000> : vector<128xf32>
      %reduce_max3A_716 = vector.multi_reduction <maximumf>, %select_n3A_714, %reduce_max3A_715 [1] : vector<128x512xf32> to vector<128xf32>
      %broadcast_in_dim3A_717 = vector.shape_cast %reduce_max3A_716 : vector<128xf32> to vector<128x1xf32>
      %eq3A_718 = vector.broadcast %broadcast_in_dim3A_717 : vector<128x1xf32> to vector<128x512xf32>
      %eq3A_719 = arith.cmpf oeq, %select_n3A_714, %eq3A_718 : vector<128x512xf32>
      %jit3A_720 = arith.constant 1.000000e+09 : f32
      %broadcast_in_dim3A_721 = vector.broadcast %jit3A_720 : f32 to vector<128x512xf32>
      %select_n3A_722 = arith.select %eq3A_719, %concatenate3A_468, %broadcast_in_dim3A_721 : vector<128x512xi1>, vector<128x512xf32>
      %reduce_min3A_723 = arith.constant dense<0x7F800000> : vector<128xf32>
      %reduce_min3A_724 = vector.multi_reduction <minimumf>, %select_n3A_722, %reduce_min3A_723 [1] : vector<128x512xf32> to vector<128xf32>
      %broadcast_in_dim3A_725 = vector.shape_cast %reduce_min3A_724 : vector<128xf32> to vector<128x1xf32>
      %eq3A_726 = vector.broadcast %broadcast_in_dim3A_717 : vector<128x1xf32> to vector<128x512xf32>
      %eq3A_727 = arith.cmpf oeq, %select_n3A_714, %eq3A_726 : vector<128x512xf32>
      %eq3A_728 = vector.broadcast %broadcast_in_dim3A_725 : vector<128x1xf32> to vector<128x512xf32>
      %eq3A_729 = arith.cmpf oeq, %concatenate3A_468, %eq3A_728 : vector<128x512xf32>
      %and3A_730 = arith.andi %eq3A_727, %eq3A_729 : vector<128x512xi1>
      %jit3A_731 = arith.constant 0xFF800000 : f32
      %broadcast_in_dim3A_732 = vector.broadcast %jit3A_731 : f32 to vector<128x512xf32>
      %select_n3A_733 = arith.select %and3A_730, %broadcast_in_dim3A_732, %select_n3A_714 : vector<128x512xi1>, vector<128x512xf32>
      %reduce_max3A_734 = arith.constant dense<0xFF800000> : vector<128xf32>
      %reduce_max3A_735 = vector.multi_reduction <maximumf>, %select_n3A_733, %reduce_max3A_734 [1] : vector<128x512xf32> to vector<128xf32>
      %broadcast_in_dim3A_736 = vector.shape_cast %reduce_max3A_735 : vector<128xf32> to vector<128x1xf32>
      %eq3A_737 = vector.broadcast %broadcast_in_dim3A_736 : vector<128x1xf32> to vector<128x512xf32>
      %eq3A_738 = arith.cmpf oeq, %select_n3A_733, %eq3A_737 : vector<128x512xf32>
      %jit3A_739 = arith.constant 1.000000e+09 : f32
      %broadcast_in_dim3A_740 = vector.broadcast %jit3A_739 : f32 to vector<128x512xf32>
      %select_n3A_741 = arith.select %eq3A_738, %concatenate3A_468, %broadcast_in_dim3A_740 : vector<128x512xi1>, vector<128x512xf32>
      %reduce_min3A_742 = arith.constant dense<0x7F800000> : vector<128xf32>
      %reduce_min3A_743 = vector.multi_reduction <minimumf>, %select_n3A_741, %reduce_min3A_742 [1] : vector<128x512xf32> to vector<128xf32>
      %broadcast_in_dim3A_744 = vector.shape_cast %reduce_min3A_743 : vector<128xf32> to vector<128x1xf32>
      %broadcast_in_dim3A_745 = arith.constant 0.000000e+00 : f32
      %broadcast_in_dim3A_746 = vector.broadcast %broadcast_in_dim3A_745 : f32 to vector<128x1xf32>
      %concatenate3A_747 = tpu.concatenate %broadcast_in_dim3A_479, %broadcast_in_dim3A_497, %broadcast_in_dim3A_516, %broadcast_in_dim3A_535, %broadcast_in_dim3A_554, %broadcast_in_dim3A_573, %broadcast_in_dim3A_592, %broadcast_in_dim3A_611, %broadcast_in_dim3A_630, %broadcast_in_dim3A_649, %broadcast_in_dim3A_668, %broadcast_in_dim3A_687, %broadcast_in_dim3A_706, %broadcast_in_dim3A_725, %broadcast_in_dim3A_744, %broadcast_in_dim3A_746 in 1 : vector<128x1xf32>, vector<128x1xf32>, vector<128x1xf32>, vector<128x1xf32>, vector<128x1xf32>, vector<128x1xf32>, vector<128x1xf32>, vector<128x1xf32>, vector<128x1xf32>, vector<128x1xf32>, vector<128x1xf32>, vector<128x1xf32>, vector<128x1xf32>, vector<128x1xf32>, vector<128x1xf32>, vector<128x1xf32> -> vector<128x16xf32>
      %convert_element_type3A_748 = arith.fptosi %concatenate3A_747 : vector<128x16xf32> to vector<128x16xi32>
      %swap3A_749 = arith.constant 0 : index
      %swap3A_750 = arith.constant 0 : index
      %swap3A_751 = vector.load %arg3[%swap3A_749, %swap3A_750] : memref<128x16xi32, #tpu.memory_space<vmem>>, vector<128x16xi32>
      tpu.vector_store %arg3[%swap3A_749, %swap3A_750], %convert_element_type3A_748 {strides = array<i32>} : memref<128x16xi32, #tpu.memory_space<vmem>>, vector<128x16xi32>,
      %get3A_752 = arith.constant 0 : index
      %get3A_753 = arith.constant 0 : index
      %get3A_754 = memref.load %arg8[%get3A_752, %get3A_753] : memref<1x1xf32, #tpu.memory_space<smem>>
      %swap3A_755 = arith.constant 0 : index
      %swap3A_756 = arith.constant 0 : index
      %swap3A_757 = memref.load %arg4[%swap3A_755, %swap3A_756] : memref<1x1xf32, #tpu.memory_space<smem>>
      memref.store %get3A_754, %arg4[%swap3A_755, %swap3A_756] : memref<1x1xf32, #tpu.memory_space<smem>>
      %get3A_758 = arith.constant 0 : index
      %get3A_759 = arith.constant 0 : index
      %get3A_760 = memref.load %arg9[%get3A_758, %get3A_759] : memref<1x1xf32, #tpu.memory_space<smem>>
      %swap3A_761 = arith.constant 0 : index
      %swap3A_762 = arith.constant 0 : index
      %swap3A_763 = memref.load %arg5[%swap3A_761, %swap3A_762] : memref<1x1xf32, #tpu.memory_space<smem>>
      memref.store %get3A_760, %arg5[%swap3A_761, %swap3A_762] : memref<1x1xf32, #tpu.memory_space<smem>>
    } else {
    }
    return
  }
  func.func @transform_0(%arg0: i32) -> (i32, i32) {
    %c0_i32 = arith.constant 0 : i32
    %c0_i32_0 = arith.constant 0 : i32
    return %arg0, %c0_i32 : i32, i32
  }
  func.func @transform_1(%arg0: i32) -> (i32, i32) {
    %c0_i32 = arith.constant 0 : i32
    %c0_i32_0 = arith.constant 0 : i32
    return %arg0, %c0_i32 : i32, i32
  }
  func.func @transform_2(%arg0: i32) -> (i32, i32) {
    %c0_i32 = arith.constant 0 : i32
    %c0_i32_0 = arith.constant 0 : i32
    %c0_i32_1 = arith.constant 0 : i32
    return %c0_i32, %c0_i32_0 : i32, i32
  }
  func.func @transform_3(%arg0: i32) -> (i32, i32) {
    %c0_i32 = arith.constant 0 : i32
    %c0_i32_0 = arith.constant 0 : i32
    %c0_i32_1 = arith.constant 0 : i32
    return %c0_i32, %c0_i32_0 : i32, i32
  }
  func.func @transform_4(%arg0: i32) -> (i32, i32) {
    %c0_i32 = arith.constant 0 : i32
    %c0_i32_0 = arith.constant 0 : i32
    %c0_i32_1 = arith.constant 0 : i32
    return %c0_i32, %c0_i32_0 : i32, i32
  }
}

</mosaic_0001>

<sc_bundles>
// kernel: kernel.5.cloned.1.call-start
scs
__scs_entry_jumppad:
0x0: {  	(pc) =	sbr.rel $0x88, $3  }
0x1: {  	(tag) =	ssettag $0x0;
	lr =	simm.s32 $0x1  }
0x2: {  	[smem:$0x3F9F] =	sst lr;
	_ =	strace $0xD0000000  }
0x3: {  	_ = 	snop  }
0x4: {  	_ = 	snop  }
0x5: {  	_ = 	snop  }
0x6: {  	_ = 	snop  }
0x7: {  	_ = 	snop  }
__scs_overlays_trampoline_lowered:
0x8: {  	[smem:$0x3FAE] =	sst s0  }
0x9: {  	[smem:$0x3FAF] =	sst s1  }
0xa: {  	[smem:$0x3FB0] =	sst s2  }
0xb: {  	[smem:$0x3FB1] =	sst s3  }
0xc: {  	[smem:$0x3FB2] =	sst s4  }
0xd: {  	[smem:$0x3FB3] =	sst s5  }
0xe: {  	[smem:$0x3FB4] =	sst s6  }
0xf: {  	[smem:$0x3FB5] =	sst s7  }
0x10: {  	[smem:$0x3FB6] =	sst s8  }
0x11: {  	[smem:$0x3FB7] =	sst s9;
	s0 =	simm.s32 @!p0 $0x0  }
0x12: {  	s1 =	sld [smem:$0x3F9D];
	s0 =	simm.s32 @p0 $0x1  }
0x13: {  	[smem:$0x3FB8] =	sst s0;
	s0 =	simm.s32 @!p1 $0x0  }
0x14: {  	s2 =	sld [smem:$0x3F9C];
	s0 =	simm.s32 @p1 $0x1  }
0x15: {  	[smem:$0x3FB9] =	sst s0;
	s0 =	simm.s32 @!p2 $0x0  }
0x16: {  	s3 =	sld [smem:$0x3FDB];
	s0 =	simm.s32 @p2 $0x1  }
0x17: {  	s4 =	simm.s32 $0x1BF5;
	[smem:$0x3FBB] =	sst s0  }
0x18: {  	s0 =	sld [smem:$0x3F9E];
	_ =	swait.ge [sflag:s4], $0x0  }
0x19: {  	s7 =	sld [smem:$0x3F9F]  }
0x1a: {  	s8 =	sadd.s32 $0xFFFFE003, lr  }
0x1b: {  	s9 =	sadd.s32 $0xFFFFFEF7, lr;
	s5 =	simm.s32 $0xFFFFFFFF;
	p2 =	slt.u32 s8, $0xFFFFF086  }
0x1c: {  	p1 =	slt.u32 s9, $0xF7A;
	s5 =	simm.s32 @!p2 $0x0  }
0x1d: {  	s5 =	simm.s32 @p1 $0x1;
	p0 =	seq.s32 s7, s2  }
0x1e: {  	s7 =	smul.u32 @!p0 $0xF7A, s2;
	p2 =	seq.s32 @!p0 s5, $0x0  }
0x1f: {  	s9 =	smul.u32 $0xF7A, s1;
	s8 =	simm.s32 @!p0 $0x1BF5;
	p2 =	por !p2, p0  }
0x20: {  	[sflag:s8] =	ssyncset.s32 @!p0 $0xFFFFF086;
	s6 =	sadd.s32 @!p0 s3, s7;
	s7 =	simm.s32 @!p0 $0x108  }
0x21: {  	s3 =	sadd.s32 s3, s9;
	s6 =	sadd.s32 @!p0 $0x88, s6;
	s7 =	simm.s32 @p2 $0x1082  }
0x22: {  	[simem:s7], [sflag:s8] =	dma.local @!p0 [hbm:s6], $0xF7A  }
0x23: {  	s9 =	sor.u32 $0xD0000000, s2;
	s6 =	simm.s32 $0x108;
	_ =	swait.ge @!p0 [sflag:s8], $0x0  }
0x24: {  	s3 =	sadd.s32 $0x88, s3;
	s6 =	simm.s32 @!p1 $0x1082;
	[sflag:s4] =	ssyncset.s32 $0xFFFFF086  }
0x25: {  	[simem:s6], [sflag:s4] =	dma.local [hbm:s3], $0xF7A  }
0x26: {  	[smem:$0x3F9F] =	sst s1;
	(tag) =	ssettag s2;
	_ =	strace s9  }
0x27: {  	s1 =	sld [smem:$0x3FAF]  }
0x28: {  	s2 =	sld [smem:$0x3FB0]  }
0x29: {  	s4 =	sld [smem:$0x3FB2]  }
0x2a: {  	p0 =	seq.s32 s5, $0x0;
	s5 =	sld [smem:$0x3FB3]  }
0x2b: {  	s6 =	sld [smem:$0x3FB4]  }
0x2c: {  	s7 =	sld [smem:$0x3FB5]  }
0x2d: {  	s3 =	simm.s32 $0x108;
	s8 =	sld [smem:$0x3FB6]  }
0x2e: {  	s3 =	simm.s32 @!p0 $0x1082;
	s9 =	sld [smem:$0x3FB7]  }
0x2f: {  	lr =	sadd.s32 s0, s3;
	s0 =	sld [smem:$0x3FAE]  }
0x30: {  	s3 =	sld [smem:$0x3FB1]  }
0x31: {  	[smem:$0x3FBA] =	sst s10  }
0x32: {  	s10 =	sld [smem:$0x3FB8];
	_ =	sdelay $0x3  }
0x33: {  	p0 =	seq.s32 s10, $0x1;
	s10 =	sld [smem:$0x3FBA];
	_ =	sdelay $0x3  }
0x34: {  	[smem:$0x3FBA] =	sst s10  }
0x35: {  	s10 =	sld [smem:$0x3FB9];
	_ =	sdelay $0x3  }
0x36: {  	p1 =	seq.s32 s10, $0x1;
	s10 =	sld [smem:$0x3FBA];
	_ =	sdelay $0x3  }
0x37: {  	[smem:$0x3FBA] =	sst s10  }
0x38: {  	s10 =	sld [smem:$0x3FBB]  }
0x39: {  	_ = 	snop;
	(pc) =	sbr.ind lr, $3  }
0x3a: {  	_ = 	snop  }
0x3b: {  	_ = 	snop  }
0x3c: {  	p2 =	seq.s32 s10, $0x1;
	s10 =	sld [smem:$0x3FBA]  }
0x3d: {  	_ =	shalt  }
0x3e: {  	_ =	shalt  }
0x3f: {  	_ =	shalt  }
0x40: {  	_ =	shalt  }
0x41: {  	_ =	shalt  }
0x42: {  	_ =	shalt  }
0x43: {  	_ =	shalt  }
0x44: {  	_ =	shalt  }
0x45: {  	_ =	shalt  }
0x46: {  	_ =	shalt  }
0x47: {  	_ =	shalt  }
0x48: {  	_ =	shalt  }
0x49: {  	_ =	shalt  }
0x4a: {  	_ =	shalt  }
0x4b: {  	_ =	shalt  }
0x4c: {  	_ =	shalt  }
0x4d: {  	_ =	shalt  }
0x4e: {  	_ =	shalt  }
0x4f: {  	_ =	shalt  }
0x50: {  	_ =	shalt  }
0x51: {  	_ =	shalt  }
0x52: {  	_ =	shalt  }
0x53: {  	_ =	shalt  }
0x54: {  	_ =	shalt  }
0x55: {  	_ =	shalt  }
0x56: {  	_ =	shalt  }
0x57: {  	_ =	shalt  }
0x58: {  	_ =	shalt  }
0x59: {  	_ =	shalt  }
0x5a: {  	_ =	shalt  }
0x5b: {  	_ =	shalt  }
0x5c: {  	_ =	shalt  }
0x5d: {  	_ =	shalt  }
0x5e: {  	_ =	shalt  }
0x5f: {  	_ =	shalt  }
0x60: {  	_ =	shalt  }
0x61: {  	_ =	shalt  }
0x62: {  	_ =	shalt  }
0x63: {  	_ =	shalt  }
0x64: {  	_ =	shalt  }
0x65: {  	_ =	shalt  }
0x66: {  	_ =	shalt  }
0x67: {  	_ =	shalt  }
0x68: {  	_ =	shalt  }
0x69: {  	_ =	shalt  }
0x6a: {  	_ =	shalt  }
0x6b: {  	_ =	shalt  }
0x6c: {  	_ =	shalt  }
0x6d: {  	_ =	shalt  }
0x6e: {  	_ =	shalt  }
0x6f: {  	_ =	shalt  }
0x70: {  	_ =	shalt  }
0x71: {  	_ =	shalt  }
0x72: {  	_ =	shalt  }
0x73: {  	_ =	shalt  }
0x74: {  	_ =	shalt  }
0x75: {  	_ =	shalt  }
0x76: {  	_ =	shalt  }
0x77: {  	_ =	shalt  }
0x78: {  	_ =	shalt  }
0x79: {  	_ =	shalt  }
0x7a: {  	_ =	shalt  }
0x7b: {  	_ =	shalt  }
0x7c: {  	_ =	shalt  }
0x7d: {  	_ =	shalt  }
0x7e: {  	_ =	shalt  }
0x7f: {  	_ =	shalt  }
0x80: {  	_ =	shalt  }
0x81: {  	_ =	shalt  }
0x82: {  	_ =	shalt  }
0x83: {  	_ =	shalt  }
0x84: {  	_ =	shalt  }
0x85: {  	_ =	shalt  }
0x86: {  	_ =	shalt  }
0x87: {  	_ =	shalt  }
.Lfunc_end0:
.L_simem_size_0:
called_computation_lowered:
.L_overlay_start_0:
0x88: {  	s2 =	sld [smem:$0x3FD9]  }
0x89: {  	s3 =	sld [smem:$0x3FFE];
	_ =	sdelay $0x1  }
0x8a: {  	s1 =	srdreg.scid  }
0x8b: {  	s0 =	sand.u32 $0x1, s1  }
0x8c: {  	s17 =	sshll.u32 s0, $0xA;
	s2 =	sadd.s32 s3, s2  }
0x8d: {  	s2 =	sadd.s32 s2, s17  }
0x8e: {  	[smem:$0x3FC6] =	sst s2  }
0x8f: {  	_ = 	snop  }
0x90: {  	s2 =	sld [smem:$0x3FC9];
	(tm) =	ssettm $0x1  }
0x91: {  	s18 =	sld [smem:$0x3FFB];
	_ =	sdelay $0x3  }
0x92: {  	_ =	strace s18  }
0x93: {  	s3 =	sld [smem:$0x3FFC];
	_ =	sdelay $0x3  }
0x94: {  	_ =	strace s3  }
0x95: {  	s3 =	sld [smem:$0x3FFD];
	_ =	sdelay $0x3  }
0x96: {  	_ =	strace s3  }
0x97: {  	_ =	strace $0x8FFFFFFF  }
0x98: {  	s19 =	sld [smem:$0x3FDB];
	_ =	sdelay $0x1  }
0x99: {  	s4 =	simm.s32 $_scs_section_size  }
0x9a: {  	s5 =	simm.s32 $_size__tile_overlayer_lowered;
	s6 =	simm.s32 $_tile_overlayer_lowered  }
0x9b: {  	s22 =	simm.s32 $0x1BFF;
	s21 =	sshll.u32 s6, $0x1;
	s3 =	sadd.s32 s4, s19  }
0x9c: {  	s7 =	simm.s32 $0x0;
	s20 =	sshll.u32 s5, $0x1;
	s5 =	sadd.s32 s21, s3  }
0x9d: {  	[timem:s7], [sflag:s22] =	dma.local [hbm:s5], s20  }
0x9e: {  	_ =	swait.ge [sflag:s22], s20  }
0x9f: {  	s4 =	ssub.s32 $0x0, s20;
	[sflag:s22] =	ssyncset.done $0x0  }
0xa0: {  	[sflag:s22] =	ssyncadd.s32 s4;
	_ =	sdelay $0x1  }
0xa1: {  	s23 =	simm.s32 $0x1B8B  }
0xa2: {  	_ =	swait.ge [sflag:s23], $0x1  }
0xa3: {  	[sflag:s23] =	ssyncset.done $0x0  }
0xa4: {  	s25 =	simm.s32 $0x1B8E;
	s24 =	sld [smem:$0x3FFE];
	[sflag:s23] =	ssyncadd.s32 $0xFFFFFFFF  }
0xa5: {  	s26 =	simm.s32 $execute0_lowered;
	[smem:$0x3FD2] =	sst s25  }
0xa6: {  	s5 =	sshll.u32 s26, $0x1;
	_ =	strace $0x80000046;
	[dreg:$0x1] =	wrdreg $0xFFFFFFFF  }
0xa7: {  	s28 =	simm.s32 $_size_execute0_lowered;
	s3 =	sadd.s32 s3, s5;
	[dreg:$0x0] =	wrdreg $0x0  }
0xa8: {  	s5 =	sshll.u32 s28, $0x1;
	[dreg:$0x2] =	wrdreg s3  }
0xa9: {  	[dreg:$0x3] =	wrdreg s5  }
0xaa: {  	[dreg:$0x4] =	wrdreg $0xC0  }
0xab: {  	_ =	task [dreg:s7], $0x5FFFF  }
0xac: {  	[dreg:$0x1] =	wrdreg $0xFFFFFFFF  }
0xad: {  	[dreg:$0x0] =	wrdreg $0x60  }
0xae: {  	[dreg:$0x2] =	wrdreg s2  }
0xaf: {  	[dreg:$0x3] =	wrdreg s24  }
0xb0: {  	[dreg:$0x4] =	wrdreg $0x9  }
0xb1: {  	_ =	task.clear_ibuf [dreg:s7], $0x5FFFF;
	_ =	strace $0x90000046  }
0xb2: {  	s29 =	simm.s32 $0x9;
	_ =	strace $0x80000048  }
0xb3: {  	_ =	swait.ge [sflag:s29], $0x1  }
0xb4: {  	[sflag:s29] =	ssyncadd.s32 $0xFFFFFFFF  }
0xb5: {  	_ =	strace $0x90000048  }
0xb6: {  	_ =	sfence  }
0xb7: {  	s30 =	sld [smem:$0x0];
	_ =	sdelay $0x2  }
0xb8: {  	s31 =	sshll.u32 s1, $0xD;
	s1 =	sshrl.u32 s1, $0x2  }
0xb9: {  	s3 =	sand.u32 $0x4000, s31;
	s1 =	sadd.s32 s1, s30  }
0xba: {  	s0 =	sor.u32 s3, s0;
	s1 =	sshll.u32 s1, $0x11  }
0xbb: {  	s0 =	sor.u32 s1, s0  }
0xbc: {  	s0 =	sadd.s32 $0x8F2B, s0  }
0xbd: {  	[sflag:s0] =	ssyncadd.remote.s32 $0x1  }
0xbe: {  	_ =	sfence.sel $0xFFFF  }
0xbf: {  	[dreg:$0x0] =	wrdreg $0xFFFFFFFF;
	(pc) =	sbr.abs _section_cstart, $3  }
0xc0: {  	[dreg:$0x1] =	wrdreg $0xFFFFFFFF  }
0xc1: {  	_ =	task.clear_ibuf [dreg:s7], $0x2FFFF;
	_ =	strace $0x9FFFFFFF  }
0xc2: {  	(tm) =	ssettm $0x7FFFFFFF  }
0xc3: {  	_ =	shalt  }
tec
execute0_lowered:
.L_overlay_start_1:
0x0: {  	(tag) =	ssettag $0x1  }
0x1: {  	s1 =	srdreg.scid  }
0x2: {  	s0 =	stileid.u32;
	s2 =	rddreg [dreg:$0x0]  }
0x3: {  	s9 =	rddreg [dreg:$0x1];
	s6 =	sand.u32 $0x1, s1;
	s30 =	sshll.u32 s0, $0x1  }
0x4: {  	s3 =	simm.s32 $0x0;
	s7 =	simm.s32 $0x80;
	s10 =	sor.u32 s6, s30  }
0x5: {  	s8 =	simm.s32 $0x1;
	[smem:$0x7FF] =	sst s3;
	s4 =	sshll.u32 s10, $0x4  }
0x6: {  	s1 =	rddreg [dreg:$0x2];
	_ =	strace $0x80000047;
	s4 =	sadd.s32 s4, s9  }
0x7: {  	s11 =	ssub.s32 $0x2, s6;
	s5 =	sadd.s32 $0x600, s4;
	s4 =	simm.s32 $0x2  }
0x8: {  	[tilespmem:s3], [sflag:$0x2] =	stream.linear.gather [hbm4b:s5+s3], $0x80, $0x38;
	[tilespmem:$0x2080] =	vst v63  }
0x9: {  	s6 =	simm.s32 $0x40;
	s12 =	sshrl.u32 s11, $0x1;
	_ =	swait.ge [sflag:s4], $0x80  }
0xa: {  	s10 =	sshll.u32 s10, $0xA;
	s31 =	ssub.s32 s11, s12;
	[sflag:s4] =	ssyncset.done $0x0  }
0xb: {  	s9 =	sadd.s32 s10, s9;
	s10 =	smax.u32 s31, $0x1;
	[sflag:s4] =	ssyncadd.s32 $0xFFFFFF80  }
0xc: {  	[tilespmem:s7], [sflag:$0x1] =	stream.indirect.gather [hbm4b:s2+s6], $0x80, s3, s6, $0xb8;
	[tilespmem:$0x2080] =	vst v63  }
0xd: {  	p0 =	sne.s32 s10, $0x1;
	_ =	swait.ge [sflag:s8], $0x2000  }
.Ltmp0:
0xe: {  	[sflag:s8] =	ssyncset.done $0x0;
	(pc) =	sbr.rel @!p0 .LBB2_2-.Ltmp0, $4  }
0xf: {  	s9 =	sadd.s32 $0x800, s9;
	[sflag:s8] =	ssyncadd.s32 $0xFFFFE000  }
0x10: {  	[hbm4b:s9+s3] =	stream.linear.scatter [tilespmem:s7], [sflag:$0x2], $0x2000, $0x38;
	[tilespmem:$0x2080] =	vst v63  }
0x11: {  	_ =	swait.ge [sflag:s4], $0x2000  }
0x12: {  	s10 =	sadd.s32 $0xFFFFFFFF, s10;
	[sflag:s4] =	ssyncset.done $0x0  }
.LBB2_1:
0x13: {  	p0 =	sne.s32 s10, $0x1;
	s10 =	sadd.s32 $0xFFFFFFFF, s10;
	[sflag:s4] =	ssyncadd.s32 $0xFFFFE000  }
0x14: {  	[tilespmem:s3], [sflag:$0x2] =	stream.linear.gather [hbm4b:s5+s3], $0x80, $0x38;
	[tilespmem:$0x2080] =	vst v63  }
0x15: {  	_ =	swait.ge [sflag:s4], $0x80  }
0x16: {  	[sflag:s4] =	ssyncset.done $0x0  }
0x17: {  	[sflag:s4] =	ssyncadd.s32 $0xFFFFFF80  }
0x18: {  	[tilespmem:s7], [sflag:$0x1] =	stream.indirect.gather [hbm4b:s2+s6], $0x80, s3, s6, $0xb8;
	[tilespmem:$0x2080] =	vst v63  }
0x19: {  	_ =	swait.ge [sflag:s8], $0x2000  }
.Ltmp1:
0x1a: {  	[sflag:s8] =	ssyncset.done $0x0;
	(pc) =	sbr.rel @p0 .LBB2_1-.Ltmp1, $4  }
0x1b: {  	[sflag:s8] =	ssyncadd.s32 $0xFFFFE000  }
0x1c: {  	[hbm4b:s9+s3] =	stream.linear.scatter [tilespmem:s7], [sflag:$0x2], $0x2000, $0x38;
	[tilespmem:$0x2080] =	vst v63  }
0x1d: {  	_ =	swait.ge [sflag:s4], $0x2000  }
0x1e: {  	[sflag:s4] =	ssyncset.done $0x0  }
.LBB2_2:
0x1f: {  	[sflag:s4] =	ssyncadd.s32 $0xFFFFE000  }
0x20: {  	_ =	sfence.sel $0x180000  }
0x21: {  	[bflag:$0x0] =	sbarrier.arrive $0xFFFF  }
0x22: {  	p0 =	sne.s32 s0, $0x0;
	_ =	strace $0x90000047  }
0x23: {  	s0 =	sadd.s32 @!p0 $0x100000, s1;
	[bflag:$0x2] =	sbarrier.arrive $0xFFFF  }
0x24: {  	[sflag:s0] =	ssyncadd.tile.s32 @!p0 $0x1;
	_ =	shalt  }
.Lfunc_end2:
_tile_overlayer_lowered:
.L_overlay_start_2:
0x25: {  	(tag) =	ssettag $0x2  }
0x26: {  	s0 =	rddreg [dreg:$0x0];
	s2 =	stileid.u32  }
0x27: {  	s1 =	rddreg [dreg:$0x1];
	p0 =	sne.s32 s2, $0x0  }
0x28: {  	s3 =	rddreg [dreg:$0x2];
	[bflag:$0x3] =	sbarrier.arrive $0xFFFF;
	s2 =	simm.s32 @!p0 $0x1C02  }
0x29: {  	[timem:s3], [sflag:s2] =	dma.local @!p0 [hbm:s0], s1  }
0x2a: {  	s0 =	simm.s32 @!p0 $0x2  }
0x2b: {  	_ =	swait.ge @!p0 [sflag:s0], s1  }
0x2c: {  	s1 =	ssub.s32 @!p0 $0x0, s1;
	[sflag:s0] =	ssyncset.done @!p0 $0x0  }
0x2d: {  	[sflag:s0] =	ssyncadd.s32 @!p0 s1  }
0x2e: {  	[bflag:$0x3] =	sbarrier.arrive $0xFFFF  }
0x2f: {  	_ =	shalt  }

</sc_bundles>
